<compile_context>
chip_gen: v7x
topology: tpu7x:2x2x1
jax: 0.10.2.dev20260603
libtpu: 0.0.44.dev20260713+nightly
codegen_flags: <defaults>
</compile_context>

<pallas_src>
import functools

import jax
import jax.numpy as jnp
from jax import lax
from jax.experimental import pallas as pl
from jax.experimental.pallas import tpu as pltpu
from jax.experimental.pallas import tpu_sc as plsc

BLK = 128
PACK = 4
SUB_LOG = 13
SUB = 1 << SUB_LOG
GRP_LOG = SUB_LOG + 2
GRP = 1 << GRP_LOG


@functools.lru_cache(maxsize=None)
def _build(batch, hist, embed_dim, vocab):
    info = plsc.get_sparse_core_info()
    nc, ns = info.num_cores, info.num_subcores
    nw = nc * ns
    assert batch % BLK == 0 and (batch // BLK) == nw
    assert embed_dim == 32 and PACK * embed_dim == 128
    assert hist % 2 == 0
    n_grp = -(-vocab // GRP)

    mesh = plsc.VectorSubcoreMesh(core_axis_name="c", subcore_axis_name="s")

    @functools.partial(
        pl.kernel,
        mesh=mesh,
        out_type=jax.ShapeDtypeStruct((hist, embed_dim, batch), jnp.float32),
        scratch_types=[
            pltpu.VMEM((hist, BLK), jnp.int32),
            pltpu.VMEM((hist, BLK), jnp.int32),
            pltpu.VMEM((hist, BLK), jnp.int32),
            pltpu.VMEM((4, BLK, 128), jnp.float32),
            pltpu.VMEM((embed_dim, BLK), jnp.float32),
            pltpu.VMEM((embed_dim, BLK), jnp.float32),
            pltpu.SemaphoreType.DMA,
            pltpu.SemaphoreType.DMA,
        ],
        compiler_params=pltpu.CompilerParams(
            use_tc_tiling_on_sc=True, needs_layout_passes=False
        ),
    )
    def gather_kernel(xt_hbm, table_hbm, out_hbm, idx_v, idxq_v, colb_v,
                      rows_v, t_a, t_b, gsem, osem):
        wid = lax.axis_index("s") * nc + lax.axis_index("c")
        b0 = wid * BLK
        pltpu.sync_copy(xt_hbm.at[:, pl.ds(b0, BLK)], idx_v)

        lane = lax.iota(jnp.int32, 16)

        @plsc.parallel_loop(0, hist)
        def _(h):
            for bq in range(BLK // 16):
                v = idx_v[h, pl.ds(bq * 16, 16)]
                r = lax.shift_right_logical(v, GRP_LOG)
                idxq_v[h, pl.ds(bq * 16, 16)] = (
                    lax.shift_left(r, SUB_LOG) | (v & (SUB - 1))
                )
                colb_v[h, pl.ds(bq * 16, 16)] = (
                    (lax.shift_right_logical(v, SUB_LOG) & (PACK - 1))
                    * embed_dim
                )

        def select_and_store(rows_ref, t_v, h):
            cbs = [colb_v[h, pl.ds(bq * 16, 16)] for bq in range(BLK // 16)]
            rs = [lane + (bq * 16) for bq in range(BLK // 16)]

            @plsc.parallel_loop(0, embed_dim, unroll=4)
            def _(e):
                for bq in range(BLK // 16):
                    t_v[e, pl.ds(bq * 16, 16)] = plsc.load_gather(
                        rows_ref, [rs[bq], cbs[bq] + e]
                    )

            pltpu.async_copy(t_v, out_hbm.at[h, :, pl.ds(b0, BLK)], osem)

        def drain_out(t_v):
            pltpu.make_async_copy(t_v, out_hbm.at[0, :, pl.ds(b0, BLK)],
                                  osem).wait()

        def issue(h):
            return pltpu.async_copy(table_hbm.at[idxq_v.at[h]],
                                    rows_v.at[h & 3], gsem)

        def drain():
            pltpu.make_async_copy(table_hbm.at[idxq_v.at[0]],
                                  rows_v.at[0], gsem).wait()

        issue(0)
        issue(1)

        def body(c, _):
            h0 = 2 * c

            @pl.when(h0 + 2 < hist)
            def _():
                issue(h0 + 2)

            drain()

            @pl.when(h0 >= 2)
            def _():
                drain_out(t_a)

            select_and_store(rows_v.at[h0 & 3], t_a, h0)

            @pl.when(h0 + 3 < hist)
            def _():
                issue(h0 + 3)

            drain()

            @pl.when(h0 >= 2)
            def _():
                drain_out(t_b)

            select_and_store(rows_v.at[(h0 + 1) & 3], t_b, h0 + 1)
            return 0

        lax.fori_loop(0, hist // 2, body, 0)
        drain_out(t_a)
        drain_out(t_b)

    def repack_body(src_ref, dst_ref):
        x = src_ref[...]
        acc = None
        for k in range(PACK):
            sel = jnp.pad(
                jnp.eye(embed_dim, dtype=jnp.float32),
                ((0, 0), (k * embed_dim, (PACK - 1 - k) * embed_dim)),
            )
            part = jax.lax.dot_general(
                x[:, k * SUB:(k + 1) * SUB], sel,
                (((0,), (0,)), ((), ())),
                preferred_element_type=jnp.float32,
            )
            acc = part if acc is None else acc + part
        dst_ref[...] = acc

    repack = pl.pallas_call(
        repack_body,
        grid=(n_grp,),
        in_specs=[pl.BlockSpec((embed_dim, GRP), lambda j: (0, j))],
        out_specs=pl.BlockSpec((SUB, PACK * embed_dim), lambda j: (j, 0)),
        out_shape=jax.ShapeDtypeStruct((n_grp * SUB, PACK * embed_dim),
                                       jnp.float32),
        compiler_params=pltpu.CompilerParams(
            fuse_transposed_lhs_in_matmul=True
        ),
    )

    def run(x, raw_weight):
        xt = x.T.astype(jnp.int32)
        tq = repack(raw_weight.T)
        out_t = gather_kernel(xt, tq)
        return jnp.transpose(out_t, (2, 0, 1))

    return run


def kernel(x, raw_weight):
    batch, hist = x.shape
    vocab, embed_dim = raw_weight.shape
    return _build(batch, hist, embed_dim, vocab)(x, raw_weight)

# --- scband reference (transcript-rebuilt; emitter-appended) ---
"""Pipeline reference for scband-vdembedding-23983097381329 (READ-ONLY COPY).

The authoritative reference and input builder live on the scoring server;
editing this copy changes nothing except your own understanding.
"""

import jax, jax.numpy as jnp
import numpy as np

VOCAB = 1000000
EMBED_DIM = 32
BATCH = 4096
HIST = 50
PADDING_IDX = 0
DROPOUT = 0.1


def setup_inputs(seed: int = 0) -> dict:
    key = jax.random.key(seed)
    k_x, k_w = jax.random.split(key)
    x = jax.random.randint(k_x, (BATCH, HIST), 0, VOCAB, dtype=jnp.int64 if jax.config.jax_enable_x64 else jnp.int32)
    # raw_weight initialized uniform(-0.1, 0.1), matching init_weights()
    raw_weight = jax.random.uniform(k_w, (VOCAB, EMBED_DIM), dtype=jnp.float32, minval=-0.1, maxval=0.1)
    return {"x": x, "raw_weight": raw_weight}


def reference(x, raw_weight):
    # Eval-mode forward: F.dropout(ones, p, training=False) is identity, so
    # mask = ones(vocab, 1) and masked_weights == raw_weight.
    mask = jnp.ones((VOCAB, 1), dtype=raw_weight.dtype)
    masked_weights = mask * raw_weight
    # Embedding lookup: gather rows of the masked table.
    out = jnp.take(masked_weights, x, axis=0)
    return out

if __name__ == "__main__":
    import jax
    _d = setup_inputs()
    print(jax.jit(kernel)(*tuple(_d.values())))

</pallas_src>

<mosaic_0001>
#map = affine_map<(d0, d1) -> (0, 0)>
#map1 = affine_map<(d0, d1) -> (0, 0, 0)>
module attributes {stable_mosaic.version = 14 : i64} {
  func.func @gather_kernel(%arg0: i32, %arg1: i32, %arg2: memref<50x4096xi32, #tpu.memory_space<hbm>>, %arg3: memref<253952x128xf32, #tpu.memory_space<hbm>>, %arg4: memref<50x32x4096xf32, #tpu.memory_space<hbm>>, %arg5: memref<50x128xi32, #tpu.memory_space<vmem>>, %arg6: memref<50x128xi32, #tpu.memory_space<vmem>>, %arg7: memref<50x128xi32, #tpu.memory_space<vmem>>, %arg8: memref<4x128x128xf32, #tpu.memory_space<vmem>>, %arg9: memref<32x128xf32, #tpu.memory_space<vmem>>, %arg10: memref<32x128xf32, #tpu.memory_space<vmem>>, %arg11: memref<!tpu.dma_semaphore, #tpu.memory_space<semaphore_mem>>, %arg12: memref<!tpu.dma_semaphore, #tpu.memory_space<semaphore_mem>>) attributes {dimension_semantics = [#tpu.dimension_semantics<core_parallel>, #tpu.dimension_semantics<subcore_parallel>], iteration_bounds = array<i64: 2, 16>, scalar_prefetch = 0 : i64, scratch_operands = 8 : i64, tpu.core_type = #tpu.core_type<sc_vector_subcore>, window_params = [{transform_indices = #map}, {transform_indices = #map}, {transform_indices = #map1}]} {
    %mul3A = arith.constant 2 : i32
    %mul3A_0 = arith.muli %arg1, %mul3A : i32
    %add3A = arith.addi %mul3A_0, %arg0 : i32
    %mul3A_1 = arith.constant 128 : i32
    %mul3A_2 = arith.muli %add3A, %mul3A_1 : i32
    "tpu.region"() ({
      %run_scoped3A = tpu.sem_alloc : memref<!tpu.dma_semaphore, #tpu.memory_space<semaphore_mem>>
      %dma_start3A_47 = arith.constant 0 : i32
      %dma_start3A_48 = tpu.memref_slice %arg2[%dma_start3A_47, %mul3A_2] : memref<50x4096xi32, #tpu.memory_space<hbm>> -> memref<50x128xi32, #tpu.memory_space<hbm>>
      %dma_start3A_49 = arith.constant 0 : i32
      %dma_start3A_50 = tpu.memref_slice %arg2[%dma_start3A_49, %mul3A_2] : memref<50x4096xi32, #tpu.memory_space<hbm>> -> memref<50x128xi32, #tpu.memory_space<hbm>>
      tpu.enqueue_dma source(%dma_start3A_50 : memref<50x128xi32, #tpu.memory_space<hbm>>) target(%arg5 : memref<50x128xi32, #tpu.memory_space<vmem>>) target_semaphore(%run_scoped3A : memref<!tpu.dma_semaphore, #tpu.memory_space<semaphore_mem>>)
      %dma_wait3A_51 = arith.constant 0 : i32
      %dma_wait3A_52 = tpu.memref_slice %arg2[%dma_wait3A_51, %mul3A_2] : memref<50x4096xi32, #tpu.memory_space<hbm>> -> memref<50x128xi32, #tpu.memory_space<hbm>>
      %dma_wait3A_53 = arith.constant 0 : i32
      %dma_wait3A_54 = tpu.memref_slice %arg2[%dma_wait3A_53, %mul3A_2] : memref<50x4096xi32, #tpu.memory_space<hbm>> -> memref<50x128xi32, #tpu.memory_space<hbm>>
      tpu.wait_dma2 semaphore(%run_scoped3A : memref<!tpu.dma_semaphore, #tpu.memory_space<semaphore_mem>>) src(%dma_wait3A_54 : memref<50x128xi32, #tpu.memory_space<hbm>>) dst(%arg5 : memref<50x128xi32, #tpu.memory_space<vmem>>)
      tpu.yield
    }) : () -> ()
    %iota3A = tpu.iota {dimensions = array<i32: 0>} : vector<16xi32>
    %parallel_loop3A = arith.constant 0 : i32
    %parallel_loop3A_3 = arith.constant 50 : i32
    %parallel_loop3A_4 = arith.constant 1 : i32
    scf.for %parallel_loop3A_47 = %parallel_loop3A to %parallel_loop3A_3 step %parallel_loop3A_4  : i32 {
      %parallel_loop3A_48 = arith.index_cast %parallel_loop3A_47 : i32 to index
      %parallel_loop3A_49 = arith.constant 0 : index
      %parallel_loop3A_50 = tpu.vector_load %arg5[%parallel_loop3A_48, %parallel_loop3A_49] {strides = array<i32>} : memref<50x128xi32, #tpu.memory_space<vmem>>, vector<16xi32>,
      %parallel_loop3A_51 = arith.constant 15 : i32
      %parallel_loop3A_52 = vector.broadcast %parallel_loop3A_51 : i32 to vector<16xi32>
      %parallel_loop3A_53 = arith.shrui %parallel_loop3A_50, %parallel_loop3A_52 : vector<16xi32>
      %parallel_loop3A_54 = arith.constant 13 : i32
      %parallel_loop3A_55 = vector.broadcast %parallel_loop3A_54 : i32 to vector<16xi32>
      %parallel_loop3A_56 = arith.shli %parallel_loop3A_53, %parallel_loop3A_55 : vector<16xi32>
      %parallel_loop3A_57 = arith.constant 8191 : i32
      %parallel_loop3A_58 = vector.broadcast %parallel_loop3A_57 : i32 to vector<16xi32>
      %parallel_loop3A_59 = arith.andi %parallel_loop3A_50, %parallel_loop3A_58 : vector<16xi32>
      %parallel_loop3A_60 = arith.ori %parallel_loop3A_56, %parallel_loop3A_59 : vector<16xi32>
      %parallel_loop3A_61 = arith.index_cast %parallel_loop3A_47 : i32 to index
      %parallel_loop3A_62 = arith.constant 0 : index
      %parallel_loop3A_63 = tpu.vector_load %arg6[%parallel_loop3A_61, %parallel_loop3A_62] {strides = array<i32>} : memref<50x128xi32, #tpu.memory_space<vmem>>, vector<16xi32>,
      tpu.vector_store %arg6[%parallel_loop3A_61, %parallel_loop3A_62], %parallel_loop3A_60 {strides = array<i32>} : memref<50x128xi32, #tpu.memory_space<vmem>>, vector<16xi32>,
      %parallel_loop3A_64 = arith.constant 13 : i32
      %parallel_loop3A_65 = vector.broadcast %parallel_loop3A_64 : i32 to vector<16xi32>
      %parallel_loop3A_66 = arith.shrui %parallel_loop3A_50, %parallel_loop3A_65 : vector<16xi32>
      %parallel_loop3A_67 = arith.constant 3 : i32
      %parallel_loop3A_68 = vector.broadcast %parallel_loop3A_67 : i32 to vector<16xi32>
      %parallel_loop3A_69 = arith.andi %parallel_loop3A_66, %parallel_loop3A_68 : vector<16xi32>
      %parallel_loop3A_70 = arith.constant 32 : i32
      %parallel_loop3A_71 = vector.broadcast %parallel_loop3A_70 : i32 to vector<16xi32>
      %parallel_loop3A_72 = arith.muli %parallel_loop3A_69, %parallel_loop3A_71 : vector<16xi32>
      %parallel_loop3A_73 = arith.index_cast %parallel_loop3A_47 : i32 to index
      %parallel_loop3A_74 = arith.constant 0 : index
      %parallel_loop3A_75 = tpu.vector_load %arg7[%parallel_loop3A_73, %parallel_loop3A_74] {strides = array<i32>} : memref<50x128xi32, #tpu.memory_space<vmem>>, vector<16xi32>,
      tpu.vector_store %arg7[%parallel_loop3A_73, %parallel_loop3A_74], %parallel_loop3A_72 {strides = array<i32>} : memref<50x128xi32, #tpu.memory_space<vmem>>, vector<16xi32>,
      %parallel_loop3A_76 = arith.index_cast %parallel_loop3A_47 : i32 to index
      %parallel_loop3A_77 = arith.constant 16 : index
      %parallel_loop3A_78 = tpu.vector_load %arg5[%parallel_loop3A_76, %parallel_loop3A_77] {strides = array<i32>} : memref<50x128xi32, #tpu.memory_space<vmem>>, vector<16xi32>,
      %parallel_loop3A_79 = arith.constant 15 : i32
      %parallel_loop3A_80 = vector.broadcast %parallel_loop3A_79 : i32 to vector<16xi32>
      %parallel_loop3A_81 = arith.shrui %parallel_loop3A_78, %parallel_loop3A_80 : vector<16xi32>
      %parallel_loop3A_82 = arith.constant 13 : i32
      %parallel_loop3A_83 = vector.broadcast %parallel_loop3A_82 : i32 to vector<16xi32>
      %parallel_loop3A_84 = arith.shli %parallel_loop3A_81, %parallel_loop3A_83 : vector<16xi32>
      %parallel_loop3A_85 = arith.constant 8191 : i32
      %parallel_loop3A_86 = vector.broadcast %parallel_loop3A_85 : i32 to vector<16xi32>
      %parallel_loop3A_87 = arith.andi %parallel_loop3A_78, %parallel_loop3A_86 : vector<16xi32>
      %parallel_loop3A_88 = arith.ori %parallel_loop3A_84, %parallel_loop3A_87 : vector<16xi32>
      %parallel_loop3A_89 = arith.index_cast %parallel_loop3A_47 : i32 to index
      %parallel_loop3A_90 = arith.constant 16 : index
      %parallel_loop3A_91 = tpu.vector_load %arg6[%parallel_loop3A_89, %parallel_loop3A_90] {strides = array<i32>} : memref<50x128xi32, #tpu.memory_space<vmem>>, vector<16xi32>,
      tpu.vector_store %arg6[%parallel_loop3A_89, %parallel_loop3A_90], %parallel_loop3A_88 {strides = array<i32>} : memref<50x128xi32, #tpu.memory_space<vmem>>, vector<16xi32>,
      %parallel_loop3A_92 = arith.constant 13 : i32
      %parallel_loop3A_93 = vector.broadcast %parallel_loop3A_92 : i32 to vector<16xi32>
      %parallel_loop3A_94 = arith.shrui %parallel_loop3A_78, %parallel_loop3A_93 : vector<16xi32>
      %parallel_loop3A_95 = arith.constant 3 : i32
      %parallel_loop3A_96 = vector.broadcast %parallel_loop3A_95 : i32 to vector<16xi32>
      %parallel_loop3A_97 = arith.andi %parallel_loop3A_94, %parallel_loop3A_96 : vector<16xi32>
      %parallel_loop3A_98 = arith.constant 32 : i32
      %parallel_loop3A_99 = vector.broadcast %parallel_loop3A_98 : i32 to vector<16xi32>
      %parallel_loop3A_100 = arith.muli %parallel_loop3A_97, %parallel_loop3A_99 : vector<16xi32>
      %parallel_loop3A_101 = arith.index_cast %parallel_loop3A_47 : i32 to index
      %parallel_loop3A_102 = arith.constant 16 : index
      %parallel_loop3A_103 = tpu.vector_load %arg7[%parallel_loop3A_101, %parallel_loop3A_102] {strides = array<i32>} : memref<50x128xi32, #tpu.memory_space<vmem>>, vector<16xi32>,
      tpu.vector_store %arg7[%parallel_loop3A_101, %parallel_loop3A_102], %parallel_loop3A_100 {strides = array<i32>} : memref<50x128xi32, #tpu.memory_space<vmem>>, vector<16xi32>,
      %parallel_loop3A_104 = arith.index_cast %parallel_loop3A_47 : i32 to index
      %parallel_loop3A_105 = arith.constant 32 : index
      %parallel_loop3A_106 = tpu.vector_load %arg5[%parallel_loop3A_104, %parallel_loop3A_105] {strides = array<i32>} : memref<50x128xi32, #tpu.memory_space<vmem>>, vector<16xi32>,
      %parallel_loop3A_107 = arith.constant 15 : i32
      %parallel_loop3A_108 = vector.broadcast %parallel_loop3A_107 : i32 to vector<16xi32>
      %parallel_loop3A_109 = arith.shrui %parallel_loop3A_106, %parallel_loop3A_108 : vector<16xi32>
      %parallel_loop3A_110 = arith.constant 13 : i32
      %parallel_loop3A_111 = vector.broadcast %parallel_loop3A_110 : i32 to vector<16xi32>
      %parallel_loop3A_112 = arith.shli %parallel_loop3A_109, %parallel_loop3A_111 : vector<16xi32>
      %parallel_loop3A_113 = arith.constant 8191 : i32
      %parallel_loop3A_114 = vector.broadcast %parallel_loop3A_113 : i32 to vector<16xi32>
      %parallel_loop3A_115 = arith.andi %parallel_loop3A_106, %parallel_loop3A_114 : vector<16xi32>
      %parallel_loop3A_116 = arith.ori %parallel_loop3A_112, %parallel_loop3A_115 : vector<16xi32>
      %parallel_loop3A_117 = arith.index_cast %parallel_loop3A_47 : i32 to index
      %parallel_loop3A_118 = arith.constant 32 : index
      %parallel_loop3A_119 = tpu.vector_load %arg6[%parallel_loop3A_117, %parallel_loop3A_118] {strides = array<i32>} : memref<50x128xi32, #tpu.memory_space<vmem>>, vector<16xi32>,
      tpu.vector_store %arg6[%parallel_loop3A_117, %parallel_loop3A_118], %parallel_loop3A_116 {strides = array<i32>} : memref<50x128xi32, #tpu.memory_space<vmem>>, vector<16xi32>,
      %parallel_loop3A_120 = arith.constant 13 : i32
      %parallel_loop3A_121 = vector.broadcast %parallel_loop3A_120 : i32 to vector<16xi32>
      %parallel_loop3A_122 = arith.shrui %parallel_loop3A_106, %parallel_loop3A_121 : vector<16xi32>
      %parallel_loop3A_123 = arith.constant 3 : i32
      %parallel_loop3A_124 = vector.broadcast %parallel_loop3A_123 : i32 to vector<16xi32>
      %parallel_loop3A_125 = arith.andi %parallel_loop3A_122, %parallel_loop3A_124 : vector<16xi32>
      %parallel_loop3A_126 = arith.constant 32 : i32
      %parallel_loop3A_127 = vector.broadcast %parallel_loop3A_126 : i32 to vector<16xi32>
      %parallel_loop3A_128 = arith.muli %parallel_loop3A_125, %parallel_loop3A_127 : vector<16xi32>
      %parallel_loop3A_129 = arith.index_cast %parallel_loop3A_47 : i32 to index
      %parallel_loop3A_130 = arith.constant 32 : index
      %parallel_loop3A_131 = tpu.vector_load %arg7[%parallel_loop3A_129, %parallel_loop3A_130] {strides = array<i32>} : memref<50x128xi32, #tpu.memory_space<vmem>>, vector<16xi32>,
      tpu.vector_store %arg7[%parallel_loop3A_129, %parallel_loop3A_130], %parallel_loop3A_128 {strides = array<i32>} : memref<50x128xi32, #tpu.memory_space<vmem>>, vector<16xi32>,
      %parallel_loop3A_132 = arith.index_cast %parallel_loop3A_47 : i32 to index
      %parallel_loop3A_133 = arith.constant 48 : index
      %parallel_loop3A_134 = tpu.vector_load %arg5[%parallel_loop3A_132, %parallel_loop3A_133] {strides = array<i32>} : memref<50x128xi32, #tpu.memory_space<vmem>>, vector<16xi32>,
      %parallel_loop3A_135 = arith.constant 15 : i32
      %parallel_loop3A_136 = vector.broadcast %parallel_loop3A_135 : i32 to vector<16xi32>
      %parallel_loop3A_137 = arith.shrui %parallel_loop3A_134, %parallel_loop3A_136 : vector<16xi32>
      %parallel_loop3A_138 = arith.constant 13 : i32
      %parallel_loop3A_139 = vector.broadcast %parallel_loop3A_138 : i32 to vector<16xi32>
      %parallel_loop3A_140 = arith.shli %parallel_loop3A_137, %parallel_loop3A_139 : vector<16xi32>
      %parallel_loop3A_141 = arith.constant 8191 : i32
      %parallel_loop3A_142 = vector.broadcast %parallel_loop3A_141 : i32 to vector<16xi32>
      %parallel_loop3A_143 = arith.andi %parallel_loop3A_134, %parallel_loop3A_142 : vector<16xi32>
      %parallel_loop3A_144 = arith.ori %parallel_loop3A_140, %parallel_loop3A_143 : vector<16xi32>
      %parallel_loop3A_145 = arith.index_cast %parallel_loop3A_47 : i32 to index
      %parallel_loop3A_146 = arith.constant 48 : index
      %parallel_loop3A_147 = tpu.vector_load %arg6[%parallel_loop3A_145, %parallel_loop3A_146] {strides = array<i32>} : memref<50x128xi32, #tpu.memory_space<vmem>>, vector<16xi32>,
      tpu.vector_store %arg6[%parallel_loop3A_145, %parallel_loop3A_146], %parallel_loop3A_144 {strides = array<i32>} : memref<50x128xi32, #tpu.memory_space<vmem>>, vector<16xi32>,
      %parallel_loop3A_148 = arith.constant 13 : i32
      %parallel_loop3A_149 = vector.broadcast %parallel_loop3A_148 : i32 to vector<16xi32>
      %parallel_loop3A_150 = arith.shrui %parallel_loop3A_134, %parallel_loop3A_149 : vector<16xi32>
      %parallel_loop3A_151 = arith.constant 3 : i32
      %parallel_loop3A_152 = vector.broadcast %parallel_loop3A_151 : i32 to vector<16xi32>
      %parallel_loop3A_153 = arith.andi %parallel_loop3A_150, %parallel_loop3A_152 : vector<16xi32>
      %parallel_loop3A_154 = arith.constant 32 : i32
      %parallel_loop3A_155 = vector.broadcast %parallel_loop3A_154 : i32 to vector<16xi32>
      %parallel_loop3A_156 = arith.muli %parallel_loop3A_153, %parallel_loop3A_155 : vector<16xi32>
      %parallel_loop3A_157 = arith.index_cast %parallel_loop3A_47 : i32 to index
      %parallel_loop3A_158 = arith.constant 48 : index
      %parallel_loop3A_159 = tpu.vector_load %arg7[%parallel_loop3A_157, %parallel_loop3A_158] {strides = array<i32>} : memref<50x128xi32, #tpu.memory_space<vmem>>, vector<16xi32>,
      tpu.vector_store %arg7[%parallel_loop3A_157, %parallel_loop3A_158], %parallel_loop3A_156 {strides = array<i32>} : memref<50x128xi32, #tpu.memory_space<vmem>>, vector<16xi32>,
      %parallel_loop3A_160 = arith.index_cast %parallel_loop3A_47 : i32 to index
      %parallel_loop3A_161 = arith.constant 64 : index
      %parallel_loop3A_162 = tpu.vector_load %arg5[%parallel_loop3A_160, %parallel_loop3A_161] {strides = array<i32>} : memref<50x128xi32, #tpu.memory_space<vmem>>, vector<16xi32>,
      %parallel_loop3A_163 = arith.constant 15 : i32
      %parallel_loop3A_164 = vector.broadcast %parallel_loop3A_163 : i32 to vector<16xi32>
      %parallel_loop3A_165 = arith.shrui %parallel_loop3A_162, %parallel_loop3A_164 : vector<16xi32>
      %parallel_loop3A_166 = arith.constant 13 : i32
      %parallel_loop3A_167 = vector.broadcast %parallel_loop3A_166 : i32 to vector<16xi32>
      %parallel_loop3A_168 = arith.shli %parallel_loop3A_165, %parallel_loop3A_167 : vector<16xi32>
      %parallel_loop3A_169 = arith.constant 8191 : i32
      %parallel_loop3A_170 = vector.broadcast %parallel_loop3A_169 : i32 to vector<16xi32>
      %parallel_loop3A_171 = arith.andi %parallel_loop3A_162, %parallel_loop3A_170 : vector<16xi32>
      %parallel_loop3A_172 = arith.ori %parallel_loop3A_168, %parallel_loop3A_171 : vector<16xi32>
      %parallel_loop3A_173 = arith.index_cast %parallel_loop3A_47 : i32 to index
      %parallel_loop3A_174 = arith.constant 64 : index
      %parallel_loop3A_175 = tpu.vector_load %arg6[%parallel_loop3A_173, %parallel_loop3A_174] {strides = array<i32>} : memref<50x128xi32, #tpu.memory_space<vmem>>, vector<16xi32>,
      tpu.vector_store %arg6[%parallel_loop3A_173, %parallel_loop3A_174], %parallel_loop3A_172 {strides = array<i32>} : memref<50x128xi32, #tpu.memory_space<vmem>>, vector<16xi32>,
      %parallel_loop3A_176 = arith.constant 13 : i32
      %parallel_loop3A_177 = vector.broadcast %parallel_loop3A_176 : i32 to vector<16xi32>
      %parallel_loop3A_178 = arith.shrui %parallel_loop3A_162, %parallel_loop3A_177 : vector<16xi32>
      %parallel_loop3A_179 = arith.constant 3 : i32
      %parallel_loop3A_180 = vector.broadcast %parallel_loop3A_179 : i32 to vector<16xi32>
      %parallel_loop3A_181 = arith.andi %parallel_loop3A_178, %parallel_loop3A_180 : vector<16xi32>
      %parallel_loop3A_182 = arith.constant 32 : i32
      %parallel_loop3A_183 = vector.broadcast %parallel_loop3A_182 : i32 to vector<16xi32>
      %parallel_loop3A_184 = arith.muli %parallel_loop3A_181, %parallel_loop3A_183 : vector<16xi32>
      %parallel_loop3A_185 = arith.index_cast %parallel_loop3A_47 : i32 to index
      %parallel_loop3A_186 = arith.constant 64 : index
      %parallel_loop3A_187 = tpu.vector_load %arg7[%parallel_loop3A_185, %parallel_loop3A_186] {strides = array<i32>} : memref<50x128xi32, #tpu.memory_space<vmem>>, vector<16xi32>,
      tpu.vector_store %arg7[%parallel_loop3A_185, %parallel_loop3A_186], %parallel_loop3A_184 {strides = array<i32>} : memref<50x128xi32, #tpu.memory_space<vmem>>, vector<16xi32>,
      %parallel_loop3A_188 = arith.index_cast %parallel_loop3A_47 : i32 to index
      %parallel_loop3A_189 = arith.constant 80 : index
      %parallel_loop3A_190 = tpu.vector_load %arg5[%parallel_loop3A_188, %parallel_loop3A_189] {strides = array<i32>} : memref<50x128xi32, #tpu.memory_space<vmem>>, vector<16xi32>,
      %parallel_loop3A_191 = arith.constant 15 : i32
      %parallel_loop3A_192 = vector.broadcast %parallel_loop3A_191 : i32 to vector<16xi32>
      %parallel_loop3A_193 = arith.shrui %parallel_loop3A_190, %parallel_loop3A_192 : vector<16xi32>
      %parallel_loop3A_194 = arith.constant 13 : i32
      %parallel_loop3A_195 = vector.broadcast %parallel_loop3A_194 : i32 to vector<16xi32>
      %parallel_loop3A_196 = arith.shli %parallel_loop3A_193, %parallel_loop3A_195 : vector<16xi32>
      %parallel_loop3A_197 = arith.constant 8191 : i32
      %parallel_loop3A_198 = vector.broadcast %parallel_loop3A_197 : i32 to vector<16xi32>
      %parallel_loop3A_199 = arith.andi %parallel_loop3A_190, %parallel_loop3A_198 : vector<16xi32>
      %parallel_loop3A_200 = arith.ori %parallel_loop3A_196, %parallel_loop3A_199 : vector<16xi32>
      %parallel_loop3A_201 = arith.index_cast %parallel_loop3A_47 : i32 to index
      %parallel_loop3A_202 = arith.constant 80 : index
      %parallel_loop3A_203 = tpu.vector_load %arg6[%parallel_loop3A_201, %parallel_loop3A_202] {strides = array<i32>} : memref<50x128xi32, #tpu.memory_space<vmem>>, vector<16xi32>,
      tpu.vector_store %arg6[%parallel_loop3A_201, %parallel_loop3A_202], %parallel_loop3A_200 {strides = array<i32>} : memref<50x128xi32, #tpu.memory_space<vmem>>, vector<16xi32>,
      %parallel_loop3A_204 = arith.constant 13 : i32
      %parallel_loop3A_205 = vector.broadcast %parallel_loop3A_204 : i32 to vector<16xi32>
      %parallel_loop3A_206 = arith.shrui %parallel_loop3A_190, %parallel_loop3A_205 : vector<16xi32>
      %parallel_loop3A_207 = arith.constant 3 : i32
      %parallel_loop3A_208 = vector.broadcast %parallel_loop3A_207 : i32 to vector<16xi32>
      %parallel_loop3A_209 = arith.andi %parallel_loop3A_206, %parallel_loop3A_208 : vector<16xi32>
      %parallel_loop3A_210 = arith.constant 32 : i32
      %parallel_loop3A_211 = vector.broadcast %parallel_loop3A_210 : i32 to vector<16xi32>
      %parallel_loop3A_212 = arith.muli %parallel_loop3A_209, %parallel_loop3A_211 : vector<16xi32>
      %parallel_loop3A_213 = arith.index_cast %parallel_loop3A_47 : i32 to index
      %parallel_loop3A_214 = arith.constant 80 : index
      %parallel_loop3A_215 = tpu.vector_load %arg7[%parallel_loop3A_213, %parallel_loop3A_214] {strides = array<i32>} : memref<50x128xi32, #tpu.memory_space<vmem>>, vector<16xi32>,
      tpu.vector_store %arg7[%parallel_loop3A_213, %parallel_loop3A_214], %parallel_loop3A_212 {strides = array<i32>} : memref<50x128xi32, #tpu.memory_space<vmem>>, vector<16xi32>,
      %parallel_loop3A_216 = arith.index_cast %parallel_loop3A_47 : i32 to index
      %parallel_loop3A_217 = arith.constant 96 : index
      %parallel_loop3A_218 = tpu.vector_load %arg5[%parallel_loop3A_216, %parallel_loop3A_217] {strides = array<i32>} : memref<50x128xi32, #tpu.memory_space<vmem>>, vector<16xi32>,
      %parallel_loop3A_219 = arith.constant 15 : i32
      %parallel_loop3A_220 = vector.broadcast %parallel_loop3A_219 : i32 to vector<16xi32>
      %parallel_loop3A_221 = arith.shrui %parallel_loop3A_218, %parallel_loop3A_220 : vector<16xi32>
      %parallel_loop3A_222 = arith.constant 13 : i32
      %parallel_loop3A_223 = vector.broadcast %parallel_loop3A_222 : i32 to vector<16xi32>
      %parallel_loop3A_224 = arith.shli %parallel_loop3A_221, %parallel_loop3A_223 : vector<16xi32>
      %parallel_loop3A_225 = arith.constant 8191 : i32
      %parallel_loop3A_226 = vector.broadcast %parallel_loop3A_225 : i32 to vector<16xi32>
      %parallel_loop3A_227 = arith.andi %parallel_loop3A_218, %parallel_loop3A_226 : vector<16xi32>
      %parallel_loop3A_228 = arith.ori %parallel_loop3A_224, %parallel_loop3A_227 : vector<16xi32>
      %parallel_loop3A_229 = arith.index_cast %parallel_loop3A_47 : i32 to index
      %parallel_loop3A_230 = arith.constant 96 : index
      %parallel_loop3A_231 = tpu.vector_load %arg6[%parallel_loop3A_229, %parallel_loop3A_230] {strides = array<i32>} : memref<50x128xi32, #tpu.memory_space<vmem>>, vector<16xi32>,
      tpu.vector_store %arg6[%parallel_loop3A_229, %parallel_loop3A_230], %parallel_loop3A_228 {strides = array<i32>} : memref<50x128xi32, #tpu.memory_space<vmem>>, vector<16xi32>,
      %parallel_loop3A_232 = arith.constant 13 : i32
      %parallel_loop3A_233 = vector.broadcast %parallel_loop3A_232 : i32 to vector<16xi32>
      %parallel_loop3A_234 = arith.shrui %parallel_loop3A_218, %parallel_loop3A_233 : vector<16xi32>
      %parallel_loop3A_235 = arith.constant 3 : i32
      %parallel_loop3A_236 = vector.broadcast %parallel_loop3A_235 : i32 to vector<16xi32>
      %parallel_loop3A_237 = arith.andi %parallel_loop3A_234, %parallel_loop3A_236 : vector<16xi32>
      %parallel_loop3A_238 = arith.constant 32 : i32
      %parallel_loop3A_239 = vector.broadcast %parallel_loop3A_238 : i32 to vector<16xi32>
      %parallel_loop3A_240 = arith.muli %parallel_loop3A_237, %parallel_loop3A_239 : vector<16xi32>
      %parallel_loop3A_241 = arith.index_cast %parallel_loop3A_47 : i32 to index
      %parallel_loop3A_242 = arith.constant 96 : index
      %parallel_loop3A_243 = tpu.vector_load %arg7[%parallel_loop3A_241, %parallel_loop3A_242] {strides = array<i32>} : memref<50x128xi32, #tpu.memory_space<vmem>>, vector<16xi32>,
      tpu.vector_store %arg7[%parallel_loop3A_241, %parallel_loop3A_242], %parallel_loop3A_240 {strides = array<i32>} : memref<50x128xi32, #tpu.memory_space<vmem>>, vector<16xi32>,
      %parallel_loop3A_244 = arith.index_cast %parallel_loop3A_47 : i32 to index
      %parallel_loop3A_245 = arith.constant 112 : index
      %parallel_loop3A_246 = tpu.vector_load %arg5[%parallel_loop3A_244, %parallel_loop3A_245] {strides = array<i32>} : memref<50x128xi32, #tpu.memory_space<vmem>>, vector<16xi32>,
      %parallel_loop3A_247 = arith.constant 15 : i32
      %parallel_loop3A_248 = vector.broadcast %parallel_loop3A_247 : i32 to vector<16xi32>
      %parallel_loop3A_249 = arith.shrui %parallel_loop3A_246, %parallel_loop3A_248 : vector<16xi32>
      %parallel_loop3A_250 = arith.constant 13 : i32
      %parallel_loop3A_251 = vector.broadcast %parallel_loop3A_250 : i32 to vector<16xi32>
      %parallel_loop3A_252 = arith.shli %parallel_loop3A_249, %parallel_loop3A_251 : vector<16xi32>
      %parallel_loop3A_253 = arith.constant 8191 : i32
      %parallel_loop3A_254 = vector.broadcast %parallel_loop3A_253 : i32 to vector<16xi32>
      %parallel_loop3A_255 = arith.andi %parallel_loop3A_246, %parallel_loop3A_254 : vector<16xi32>
      %parallel_loop3A_256 = arith.ori %parallel_loop3A_252, %parallel_loop3A_255 : vector<16xi32>
      %parallel_loop3A_257 = arith.index_cast %parallel_loop3A_47 : i32 to index
      %parallel_loop3A_258 = arith.constant 112 : index
      %parallel_loop3A_259 = tpu.vector_load %arg6[%parallel_loop3A_257, %parallel_loop3A_258] {strides = array<i32>} : memref<50x128xi32, #tpu.memory_space<vmem>>, vector<16xi32>,
      tpu.vector_store %arg6[%parallel_loop3A_257, %parallel_loop3A_258], %parallel_loop3A_256 {strides = array<i32>} : memref<50x128xi32, #tpu.memory_space<vmem>>, vector<16xi32>,
      %parallel_loop3A_260 = arith.constant 13 : i32
      %parallel_loop3A_261 = vector.broadcast %parallel_loop3A_260 : i32 to vector<16xi32>
      %parallel_loop3A_262 = arith.shrui %parallel_loop3A_246, %parallel_loop3A_261 : vector<16xi32>
      %parallel_loop3A_263 = arith.constant 3 : i32
      %parallel_loop3A_264 = vector.broadcast %parallel_loop3A_263 : i32 to vector<16xi32>
      %parallel_loop3A_265 = arith.andi %parallel_loop3A_262, %parallel_loop3A_264 : vector<16xi32>
      %parallel_loop3A_266 = arith.constant 32 : i32
      %parallel_loop3A_267 = vector.broadcast %parallel_loop3A_266 : i32 to vector<16xi32>
      %parallel_loop3A_268 = arith.muli %parallel_loop3A_265, %parallel_loop3A_267 : vector<16xi32>
      %parallel_loop3A_269 = arith.index_cast %parallel_loop3A_47 : i32 to index
      %parallel_loop3A_270 = arith.constant 112 : index
      %parallel_loop3A_271 = tpu.vector_load %arg7[%parallel_loop3A_269, %parallel_loop3A_270] {strides = array<i32>} : memref<50x128xi32, #tpu.memory_space<vmem>>, vector<16xi32>,
      tpu.vector_store %arg7[%parallel_loop3A_269, %parallel_loop3A_270], %parallel_loop3A_268 {strides = array<i32>} : memref<50x128xi32, #tpu.memory_space<vmem>>, vector<16xi32>,
    } {sc.loop_unroll_factor = 1 : i64, sc.parallel_access}
    %dma_start3A = arith.constant 0 : i32
    %dma_start3A_5 = arith.constant 0 : i32
    %dma_start3A_6 = arith.constant 0 : i32
    %dma_start3A_7 = arith.constant 0 : i32
    %dma_start3A_8 = tpu.memref_slice %arg8[%dma_start3A_5, %dma_start3A_6, %dma_start3A_7] : memref<4x128x128xf32, #tpu.memory_space<vmem>> -> memref<1x128x128xf32, #tpu.memory_space<vmem>>
    %dma_start3A_9 = tpu.memref_squeeze %dma_start3A_8 : memref<1x128x128xf32, #tpu.memory_space<vmem>> -> memref<128x128xf32, #tpu.memory_space<vmem>>
    %dma_start3A_10 = arith.constant 0 : i32
    %dma_start3A_11 = tpu.memref_slice %arg6[%dma_start3A, %dma_start3A_10] : memref<50x128xi32, #tpu.memory_space<vmem>> -> memref<1x128xi32, #tpu.memory_space<vmem>>
    %dma_start3A_12 = tpu.memref_squeeze %dma_start3A_11 : memref<1x128xi32, #tpu.memory_space<vmem>> -> memref<128xi32, #tpu.memory_space<vmem>>
    %dma_start3A_13 = arith.constant 0 : i32
    %dma_start3A_14 = arith.constant 0 : i32
    %dma_start3A_15 = tpu.memref_slice %arg3[%dma_start3A_13, %dma_start3A_14] : memref<253952x128xf32, #tpu.memory_space<hbm>> -> memref<253952x128xf32, #tpu.memory_space<hbm>>
    tpu.enqueue_indirect_dma source(%dma_start3A_15 : memref<253952x128xf32, #tpu.memory_space<hbm>>) target(%dma_start3A_9 : memref<128x128xf32, #tpu.memory_space<vmem>>) offsets(%dma_start3A_12 : memref<128xi32, #tpu.memory_space<vmem>>) semaphore(%arg11 : memref<!tpu.dma_semaphore, #tpu.memory_space<semaphore_mem>>)
    %dma_start3A_16 = arith.constant 1 : i32
    %dma_start3A_17 = arith.constant 1 : i32
    %dma_start3A_18 = arith.constant 0 : i32
    %dma_start3A_19 = arith.constant 0 : i32
    %dma_start3A_20 = tpu.memref_slice %arg8[%dma_start3A_17, %dma_start3A_18, %dma_start3A_19] : memref<4x128x128xf32, #tpu.memory_space<vmem>> -> memref<1x128x128xf32, #tpu.memory_space<vmem>>
    %dma_start3A_21 = tpu.memref_squeeze %dma_start3A_20 : memref<1x128x128xf32, #tpu.memory_space<vmem>> -> memref<128x128xf32, #tpu.memory_space<vmem>>
    %dma_start3A_22 = arith.constant 0 : i32
    %dma_start3A_23 = tpu.memref_slice %arg6[%dma_start3A_16, %dma_start3A_22] : memref<50x128xi32, #tpu.memory_space<vmem>> -> memref<1x128xi32, #tpu.memory_space<vmem>>
    %dma_start3A_24 = tpu.memref_squeeze %dma_start3A_23 : memref<1x128xi32, #tpu.memory_space<vmem>> -> memref<128xi32, #tpu.memory_space<vmem>>
    %dma_start3A_25 = arith.constant 0 : i32
    %dma_start3A_26 = arith.constant 0 : i32
    %dma_start3A_27 = tpu.memref_slice %arg3[%dma_start3A_25, %dma_start3A_26] : memref<253952x128xf32, #tpu.memory_space<hbm>> -> memref<253952x128xf32, #tpu.memory_space<hbm>>
    tpu.enqueue_indirect_dma source(%dma_start3A_27 : memref<253952x128xf32, #tpu.memory_space<hbm>>) target(%dma_start3A_21 : memref<128x128xf32, #tpu.memory_space<vmem>>) offsets(%dma_start3A_24 : memref<128xi32, #tpu.memory_space<vmem>>) semaphore(%arg11 : memref<!tpu.dma_semaphore, #tpu.memory_space<semaphore_mem>>)
    %scan3A = arith.constant 0 : i32
    %scan3A_28 = arith.constant 0 : i32
    %scan3A_29 = arith.constant 25 : i32
    %scan3A_30 = arith.addi %scan3A_28, %scan3A_29 : i32
    %scan3A_31 = arith.constant 1 : i32
    %scan3A_32 = scf.for %scan3A_47 = %scan3A_28 to %scan3A_30 step %scan3A_31 iter_args(%scan3A_48 = %scan3A) -> (i32)  : i32 {
      %mul3A_49 = arith.constant 2 : i32
      %mul3A_50 = arith.muli %mul3A_49, %scan3A_47 : i32
      %add3A_51 = arith.constant 2 : i32
      %add3A_52 = arith.addi %mul3A_50, %add3A_51 : i32
      %lt3A = arith.constant 50 : i32
      %lt3A_53 = arith.cmpi slt, %add3A_52, %lt3A : i32
      %convert_element_type3A = arith.extui %lt3A_53 : i1 to i32
      %cond3A = arith.constant 0 : i32
      %cond3A_54 = arith.cmpi ne, %convert_element_type3A, %cond3A : i32
      scf.if %cond3A_54 {
        %add3A_216 = arith.constant 2 : i32
        %add3A_217 = arith.addi %mul3A_50, %add3A_216 : i32
        %and3A_218 = arith.constant 3 : i32
        %and3A_219 = arith.andi %add3A_217, %and3A_218 : i32
        %dma_start3A_220 = arith.constant 0 : i32
        %dma_start3A_221 = arith.constant 0 : i32
        %dma_start3A_222 = tpu.memref_slice %arg8[%and3A_219, %dma_start3A_220, %dma_start3A_221] : memref<4x128x128xf32, #tpu.memory_space<vmem>> -> memref<1x128x128xf32, #tpu.memory_space<vmem>>
        %dma_start3A_223 = tpu.memref_squeeze %dma_start3A_222 : memref<1x128x128xf32, #tpu.memory_space<vmem>> -> memref<128x128xf32, #tpu.memory_space<vmem>>
        %dma_start3A_224 = arith.constant 0 : i32
        %dma_start3A_225 = tpu.memref_slice %arg6[%add3A_217, %dma_start3A_224] : memref<50x128xi32, #tpu.memory_space<vmem>> -> memref<1x128xi32, #tpu.memory_space<vmem>>
        %dma_start3A_226 = tpu.memref_squeeze %dma_start3A_225 : memref<1x128xi32, #tpu.memory_space<vmem>> -> memref<128xi32, #tpu.memory_space<vmem>>
        %dma_start3A_227 = arith.constant 0 : i32
        %dma_start3A_228 = arith.constant 0 : i32
        %dma_start3A_229 = tpu.memref_slice %arg3[%dma_start3A_227, %dma_start3A_228] : memref<253952x128xf32, #tpu.memory_space<hbm>> -> memref<253952x128xf32, #tpu.memory_space<hbm>>
        tpu.enqueue_indirect_dma source(%dma_start3A_229 : memref<253952x128xf32, #tpu.memory_space<hbm>>) target(%dma_start3A_223 : memref<128x128xf32, #tpu.memory_space<vmem>>) offsets(%dma_start3A_226 : memref<128xi32, #tpu.memory_space<vmem>>) semaphore(%arg11 : memref<!tpu.dma_semaphore, #tpu.memory_space<semaphore_mem>>)
      } else {
      }
      %dma_wait3A_55 = arith.constant 0 : i32
      %dma_wait3A_56 = arith.constant 0 : i32
      %dma_wait3A_57 = arith.constant 0 : i32
      %dma_wait3A_58 = arith.constant 0 : i32
      %dma_wait3A_59 = tpu.memref_slice %arg8[%dma_wait3A_56, %dma_wait3A_57, %dma_wait3A_58] : memref<4x128x128xf32, #tpu.memory_space<vmem>> -> memref<1x128x128xf32, #tpu.memory_space<vmem>>
      %dma_wait3A_60 = tpu.memref_squeeze %dma_wait3A_59 : memref<1x128x128xf32, #tpu.memory_space<vmem>> -> memref<128x128xf32, #tpu.memory_space<vmem>>
      %dma_wait3A_61 = arith.constant 0 : i32
      %dma_wait3A_62 = tpu.memref_slice %arg6[%dma_wait3A_55, %dma_wait3A_61] : memref<50x128xi32, #tpu.memory_space<vmem>> -> memref<1x128xi32, #tpu.memory_space<vmem>>
      %dma_wait3A_63 = tpu.memref_squeeze %dma_wait3A_62 : memref<1x128xi32, #tpu.memory_space<vmem>> -> memref<128xi32, #tpu.memory_space<vmem>>
      %dma_wait3A_64 = arith.constant 0 : i32
      %dma_wait3A_65 = arith.constant 0 : i32
      %dma_wait3A_66 = tpu.memref_slice %arg3[%dma_wait3A_64, %dma_wait3A_65] : memref<253952x128xf32, #tpu.memory_space<hbm>> -> memref<253952x128xf32, #tpu.memory_space<hbm>>
      tpu.wait_indirect_dma semaphore(%arg11 : memref<!tpu.dma_semaphore, #tpu.memory_space<semaphore_mem>>) src(%dma_wait3A_66 : memref<253952x128xf32, #tpu.memory_space<hbm>>) dst(%dma_wait3A_60 : memref<128x128xf32, #tpu.memory_space<vmem>>)
      %ge3A = arith.constant 2 : i32
      %ge3A_67 = arith.cmpi sge, %mul3A_50, %ge3A : i32
      %convert_element_type3A_68 = arith.extui %ge3A_67 : i1 to i32
      %cond3A_69 = arith.constant 0 : i32
      %cond3A_70 = arith.cmpi ne, %convert_element_type3A_68, %cond3A_69 : i32
      scf.if %cond3A_70 {
        %dma_wait3A_216 = arith.constant 0 : i32
        %dma_wait3A_217 = arith.constant 0 : i32
        %dma_wait3A_218 = tpu.memref_slice %arg4[%dma_wait3A_216, %dma_wait3A_217, %mul3A_2] : memref<50x32x4096xf32, #tpu.memory_space<hbm>> -> memref<1x32x128xf32, #tpu.memory_space<hbm>>
        %dma_wait3A_219 = tpu.memref_squeeze %dma_wait3A_218 : memref<1x32x128xf32, #tpu.memory_space<hbm>> -> memref<32x128xf32, #tpu.memory_space<hbm>>
        %dma_wait3A_220 = arith.constant 0 : i32
        %dma_wait3A_221 = tpu.memref_slice %arg4[%dma_wait3A_216, %dma_wait3A_220, %mul3A_2] : memref<50x32x4096xf32, #tpu.memory_space<hbm>> -> memref<1x32x128xf32, #tpu.memory_space<hbm>>
        %dma_wait3A_222 = tpu.memref_squeeze %dma_wait3A_221 : memref<1x32x128xf32, #tpu.memory_space<hbm>> -> memref<32x128xf32, #tpu.memory_space<hbm>>
        tpu.wait_dma2 semaphore(%arg12 : memref<!tpu.dma_semaphore, #tpu.memory_space<semaphore_mem>>) src(%arg9 : memref<32x128xf32, #tpu.memory_space<vmem>>) dst(%dma_wait3A_222 : memref<32x128xf32, #tpu.memory_space<hbm>>)
      } else {
      }
      %and3A = arith.constant 3 : i32
      %and3A_71 = arith.andi %mul3A_50, %and3A : i32
      %get3A = arith.index_cast %mul3A_50 : i32 to index
      %get3A_72 = arith.constant 0 : index
      %get3A_73 = tpu.vector_load %arg7[%get3A, %get3A_72] {strides = array<i32>} : memref<50x128xi32, #tpu.memory_space<vmem>>, vector<16xi32>,
      %get3A_74 = arith.index_cast %mul3A_50 : i32 to index
      %get3A_75 = arith.constant 16 : index
      %get3A_76 = tpu.vector_load %arg7[%get3A_74, %get3A_75] {strides = array<i32>} : memref<50x128xi32, #tpu.memory_space<vmem>>, vector<16xi32>,
      %get3A_77 = arith.index_cast %mul3A_50 : i32 to index
      %get3A_78 = arith.constant 32 : index
      %get3A_79 = tpu.vector_load %arg7[%get3A_77, %get3A_78] {strides = array<i32>} : memref<50x128xi32, #tpu.memory_space<vmem>>, vector<16xi32>,
      %get3A_80 = arith.index_cast %mul3A_50 : i32 to index
      %get3A_81 = arith.constant 48 : index
      %get3A_82 = tpu.vector_load %arg7[%get3A_80, %get3A_81] {strides = array<i32>} : memref<50x128xi32, #tpu.memory_space<vmem>>, vector<16xi32>,
      %get3A_83 = arith.index_cast %mul3A_50 : i32 to index
      %get3A_84 = arith.constant 64 : index
      %get3A_85 = tpu.vector_load %arg7[%get3A_83, %get3A_84] {strides = array<i32>} : memref<50x128xi32, #tpu.memory_space<vmem>>, vector<16xi32>,
      %get3A_86 = arith.index_cast %mul3A_50 : i32 to index
      %get3A_87 = arith.constant 80 : index
      %get3A_88 = tpu.vector_load %arg7[%get3A_86, %get3A_87] {strides = array<i32>} : memref<50x128xi32, #tpu.memory_space<vmem>>, vector<16xi32>,
      %get3A_89 = arith.index_cast %mul3A_50 : i32 to index
      %get3A_90 = arith.constant 96 : index
      %get3A_91 = tpu.vector_load %arg7[%get3A_89, %get3A_90] {strides = array<i32>} : memref<50x128xi32, #tpu.memory_space<vmem>>, vector<16xi32>,
      %get3A_92 = arith.index_cast %mul3A_50 : i32 to index
      %get3A_93 = arith.constant 112 : index
      %get3A_94 = tpu.vector_load %arg7[%get3A_92, %get3A_93] {strides = array<i32>} : memref<50x128xi32, #tpu.memory_space<vmem>>, vector<16xi32>,
      %add3A_95 = arith.constant 0 : i32
      %add3A_96 = vector.broadcast %add3A_95 : i32 to vector<16xi32>
      %add3A_97 = arith.addi %iota3A, %add3A_96 : vector<16xi32>
      %add3A_98 = arith.constant 16 : i32
      %add3A_99 = vector.broadcast %add3A_98 : i32 to vector<16xi32>
      %add3A_100 = arith.addi %iota3A, %add3A_99 : vector<16xi32>
      %add3A_101 = arith.constant 32 : i32
      %add3A_102 = vector.broadcast %add3A_101 : i32 to vector<16xi32>
      %add3A_103 = arith.addi %iota3A, %add3A_102 : vector<16xi32>
      %add3A_104 = arith.constant 48 : i32
      %add3A_105 = vector.broadcast %add3A_104 : i32 to vector<16xi32>
      %add3A_106 = arith.addi %iota3A, %add3A_105 : vector<16xi32>
      %add3A_107 = arith.constant 64 : i32
      %add3A_108 = vector.broadcast %add3A_107 : i32 to vector<16xi32>
      %add3A_109 = arith.addi %iota3A, %add3A_108 : vector<16xi32>
      %add3A_110 = arith.constant 80 : i32
      %add3A_111 = vector.broadcast %add3A_110 : i32 to vector<16xi32>
      %add3A_112 = arith.addi %iota3A, %add3A_111 : vector<16xi32>
      %add3A_113 = arith.constant 96 : i32
      %add3A_114 = vector.broadcast %add3A_113 : i32 to vector<16xi32>
      %add3A_115 = arith.addi %iota3A, %add3A_114 : vector<16xi32>
      %add3A_116 = arith.constant 112 : i32
      %add3A_117 = vector.broadcast %add3A_116 : i32 to vector<16xi32>
      %add3A_118 = arith.addi %iota3A, %add3A_117 : vector<16xi32>
      %parallel_loop3A_119 = arith.constant 0 : i32
      %parallel_loop3A_120 = arith.constant 32 : i32
      %parallel_loop3A_121 = arith.constant 1 : i32
      scf.for %parallel_loop3A_216 = %parallel_loop3A_119 to %parallel_loop3A_120 step %parallel_loop3A_121  : i32 {
        %parallel_loop3A_217 = vector.broadcast %parallel_loop3A_216 : i32 to vector<16xi32>
        %parallel_loop3A_218 = arith.addi %get3A_73, %parallel_loop3A_217 : vector<16xi32>
        %parallel_loop3A_219 = arith.constant 0 : i32
        %parallel_loop3A_220 = arith.constant 0 : i32
        %parallel_loop3A_221 = tpu.memref_slice %arg8[%and3A_71, %parallel_loop3A_219, %parallel_loop3A_220] : memref<4x128x128xf32, #tpu.memory_space<vmem>> -> memref<1x128x128xf32, #tpu.memory_space<vmem>>
        %parallel_loop3A_222 = tpu.memref_squeeze %parallel_loop3A_221 : memref<1x128x128xf32, #tpu.memory_space<vmem>> -> memref<128x128xf32, #tpu.memory_space<vmem>>
        %parallel_loop3A_223 = tpu.vector_load_idx %parallel_loop3A_222[%add3A_97, %parallel_loop3A_218] : memref<128x128xf32, #tpu.memory_space<vmem>>[vector<16xi32>, vector<16xi32>], vector<16xf32>,
        %parallel_loop3A_224 = arith.index_cast %parallel_loop3A_216 : i32 to index
        %parallel_loop3A_225 = arith.constant 0 : index
        %parallel_loop3A_226 = tpu.vector_load %arg9[%parallel_loop3A_224, %parallel_loop3A_225] {strides = array<i32>} : memref<32x128xf32, #tpu.memory_space<vmem>>, vector<16xf32>,
        tpu.vector_store %arg9[%parallel_loop3A_224, %parallel_loop3A_225], %parallel_loop3A_223 {strides = array<i32>} : memref<32x128xf32, #tpu.memory_space<vmem>>, vector<16xf32>,
        %parallel_loop3A_227 = vector.broadcast %parallel_loop3A_216 : i32 to vector<16xi32>
        %parallel_loop3A_228 = arith.addi %get3A_76, %parallel_loop3A_227 : vector<16xi32>
        %parallel_loop3A_229 = arith.constant 0 : i32
        %parallel_loop3A_230 = arith.constant 0 : i32
        %parallel_loop3A_231 = tpu.memref_slice %arg8[%and3A_71, %parallel_loop3A_229, %parallel_loop3A_230] : memref<4x128x128xf32, #tpu.memory_space<vmem>> -> memref<1x128x128xf32, #tpu.memory_space<vmem>>
        %parallel_loop3A_232 = tpu.memref_squeeze %parallel_loop3A_231 : memref<1x128x128xf32, #tpu.memory_space<vmem>> -> memref<128x128xf32, #tpu.memory_space<vmem>>
        %parallel_loop3A_233 = tpu.vector_load_idx %parallel_loop3A_232[%add3A_100, %parallel_loop3A_228] : memref<128x128xf32, #tpu.memory_space<vmem>>[vector<16xi32>, vector<16xi32>], vector<16xf32>,
        %parallel_loop3A_234 = arith.index_cast %parallel_loop3A_216 : i32 to index
        %parallel_loop3A_235 = arith.constant 16 : index
        %parallel_loop3A_236 = tpu.vector_load %arg9[%parallel_loop3A_234, %parallel_loop3A_235] {strides = array<i32>} : memref<32x128xf32, #tpu.memory_space<vmem>>, vector<16xf32>,
        tpu.vector_store %arg9[%parallel_loop3A_234, %parallel_loop3A_235], %parallel_loop3A_233 {strides = array<i32>} : memref<32x128xf32, #tpu.memory_space<vmem>>, vector<16xf32>,
        %parallel_loop3A_237 = vector.broadcast %parallel_loop3A_216 : i32 to vector<16xi32>
        %parallel_loop3A_238 = arith.addi %get3A_79, %parallel_loop3A_237 : vector<16xi32>
        %parallel_loop3A_239 = arith.constant 0 : i32
        %parallel_loop3A_240 = arith.constant 0 : i32
        %parallel_loop3A_241 = tpu.memref_slice %arg8[%and3A_71, %parallel_loop3A_239, %parallel_loop3A_240] : memref<4x128x128xf32, #tpu.memory_space<vmem>> -> memref<1x128x128xf32, #tpu.memory_space<vmem>>
        %parallel_loop3A_242 = tpu.memref_squeeze %parallel_loop3A_241 : memref<1x128x128xf32, #tpu.memory_space<vmem>> -> memref<128x128xf32, #tpu.memory_space<vmem>>
        %parallel_loop3A_243 = tpu.vector_load_idx %parallel_loop3A_242[%add3A_103, %parallel_loop3A_238] : memref<128x128xf32, #tpu.memory_space<vmem>>[vector<16xi32>, vector<16xi32>], vector<16xf32>,
        %parallel_loop3A_244 = arith.index_cast %parallel_loop3A_216 : i32 to index
        %parallel_loop3A_245 = arith.constant 32 : index
        %parallel_loop3A_246 = tpu.vector_load %arg9[%parallel_loop3A_244, %parallel_loop3A_245] {strides = array<i32>} : memref<32x128xf32, #tpu.memory_space<vmem>>, vector<16xf32>,
        tpu.vector_store %arg9[%parallel_loop3A_244, %parallel_loop3A_245], %parallel_loop3A_243 {strides = array<i32>} : memref<32x128xf32, #tpu.memory_space<vmem>>, vector<16xf32>,
        %parallel_loop3A_247 = vector.broadcast %parallel_loop3A_216 : i32 to vector<16xi32>
        %parallel_loop3A_248 = arith.addi %get3A_82, %parallel_loop3A_247 : vector<16xi32>
        %parallel_loop3A_249 = arith.constant 0 : i32
        %parallel_loop3A_250 = arith.constant 0 : i32
        %parallel_loop3A_251 = tpu.memref_slice %arg8[%and3A_71, %parallel_loop3A_249, %parallel_loop3A_250] : memref<4x128x128xf32, #tpu.memory_space<vmem>> -> memref<1x128x128xf32, #tpu.memory_space<vmem>>
        %parallel_loop3A_252 = tpu.memref_squeeze %parallel_loop3A_251 : memref<1x128x128xf32, #tpu.memory_space<vmem>> -> memref<128x128xf32, #tpu.memory_space<vmem>>
        %parallel_loop3A_253 = tpu.vector_load_idx %parallel_loop3A_252[%add3A_106, %parallel_loop3A_248] : memref<128x128xf32, #tpu.memory_space<vmem>>[vector<16xi32>, vector<16xi32>], vector<16xf32>,
        %parallel_loop3A_254 = arith.index_cast %parallel_loop3A_216 : i32 to index
        %parallel_loop3A_255 = arith.constant 48 : index
        %parallel_loop3A_256 = tpu.vector_load %arg9[%parallel_loop3A_254, %parallel_loop3A_255] {strides = array<i32>} : memref<32x128xf32, #tpu.memory_space<vmem>>, vector<16xf32>,
        tpu.vector_store %arg9[%parallel_loop3A_254, %parallel_loop3A_255], %parallel_loop3A_253 {strides = array<i32>} : memref<32x128xf32, #tpu.memory_space<vmem>>, vector<16xf32>,
        %parallel_loop3A_257 = vector.broadcast %parallel_loop3A_216 : i32 to vector<16xi32>
        %parallel_loop3A_258 = arith.addi %get3A_85, %parallel_loop3A_257 : vector<16xi32>
        %parallel_loop3A_259 = arith.constant 0 : i32
        %parallel_loop3A_260 = arith.constant 0 : i32
        %parallel_loop3A_261 = tpu.memref_slice %arg8[%and3A_71, %parallel_loop3A_259, %parallel_loop3A_260] : memref<4x128x128xf32, #tpu.memory_space<vmem>> -> memref<1x128x128xf32, #tpu.memory_space<vmem>>
        %parallel_loop3A_262 = tpu.memref_squeeze %parallel_loop3A_261 : memref<1x128x128xf32, #tpu.memory_space<vmem>> -> memref<128x128xf32, #tpu.memory_space<vmem>>
        %parallel_loop3A_263 = tpu.vector_load_idx %parallel_loop3A_262[%add3A_109, %parallel_loop3A_258] : memref<128x128xf32, #tpu.memory_space<vmem>>[vector<16xi32>, vector<16xi32>], vector<16xf32>,
        %parallel_loop3A_264 = arith.index_cast %parallel_loop3A_216 : i32 to index
        %parallel_loop3A_265 = arith.constant 64 : index
        %parallel_loop3A_266 = tpu.vector_load %arg9[%parallel_loop3A_264, %parallel_loop3A_265] {strides = array<i32>} : memref<32x128xf32, #tpu.memory_space<vmem>>, vector<16xf32>,
        tpu.vector_store %arg9[%parallel_loop3A_264, %parallel_loop3A_265], %parallel_loop3A_263 {strides = array<i32>} : memref<32x128xf32, #tpu.memory_space<vmem>>, vector<16xf32>,
        %parallel_loop3A_267 = vector.broadcast %parallel_loop3A_216 : i32 to vector<16xi32>
        %parallel_loop3A_268 = arith.addi %get3A_88, %parallel_loop3A_267 : vector<16xi32>
        %parallel_loop3A_269 = arith.constant 0 : i32
        %parallel_loop3A_270 = arith.constant 0 : i32
        %parallel_loop3A_271 = tpu.memref_slice %arg8[%and3A_71, %parallel_loop3A_269, %parallel_loop3A_270] : memref<4x128x128xf32, #tpu.memory_space<vmem>> -> memref<1x128x128xf32, #tpu.memory_space<vmem>>
        %parallel_loop3A_272 = tpu.memref_squeeze %parallel_loop3A_271 : memref<1x128x128xf32, #tpu.memory_space<vmem>> -> memref<128x128xf32, #tpu.memory_space<vmem>>
        %parallel_loop3A_273 = tpu.vector_load_idx %parallel_loop3A_272[%add3A_112, %parallel_loop3A_268] : memref<128x128xf32, #tpu.memory_space<vmem>>[vector<16xi32>, vector<16xi32>], vector<16xf32>,
        %parallel_loop3A_274 = arith.index_cast %parallel_loop3A_216 : i32 to index
        %parallel_loop3A_275 = arith.constant 80 : index
        %parallel_loop3A_276 = tpu.vector_load %arg9[%parallel_loop3A_274, %parallel_loop3A_275] {strides = array<i32>} : memref<32x128xf32, #tpu.memory_space<vmem>>, vector<16xf32>,
        tpu.vector_store %arg9[%parallel_loop3A_274, %parallel_loop3A_275], %parallel_loop3A_273 {strides = array<i32>} : memref<32x128xf32, #tpu.memory_space<vmem>>, vector<16xf32>,
        %parallel_loop3A_277 = vector.broadcast %parallel_loop3A_216 : i32 to vector<16xi32>
        %parallel_loop3A_278 = arith.addi %get3A_91, %parallel_loop3A_277 : vector<16xi32>
        %parallel_loop3A_279 = arith.constant 0 : i32
        %parallel_loop3A_280 = arith.constant 0 : i32
        %parallel_loop3A_281 = tpu.memref_slice %arg8[%and3A_71, %parallel_loop3A_279, %parallel_loop3A_280] : memref<4x128x128xf32, #tpu.memory_space<vmem>> -> memref<1x128x128xf32, #tpu.memory_space<vmem>>
        %parallel_loop3A_282 = tpu.memref_squeeze %parallel_loop3A_281 : memref<1x128x128xf32, #tpu.memory_space<vmem>> -> memref<128x128xf32, #tpu.memory_space<vmem>>
        %parallel_loop3A_283 = tpu.vector_load_idx %parallel_loop3A_282[%add3A_115, %parallel_loop3A_278] : memref<128x128xf32, #tpu.memory_space<vmem>>[vector<16xi32>, vector<16xi32>], vector<16xf32>,
        %parallel_loop3A_284 = arith.index_cast %parallel_loop3A_216 : i32 to index
        %parallel_loop3A_285 = arith.constant 96 : index
        %parallel_loop3A_286 = tpu.vector_load %arg9[%parallel_loop3A_284, %parallel_loop3A_285] {strides = array<i32>} : memref<32x128xf32, #tpu.memory_space<vmem>>, vector<16xf32>,
        tpu.vector_store %arg9[%parallel_loop3A_284, %parallel_loop3A_285], %parallel_loop3A_283 {strides = array<i32>} : memref<32x128xf32, #tpu.memory_space<vmem>>, vector<16xf32>,
        %parallel_loop3A_287 = vector.broadcast %parallel_loop3A_216 : i32 to vector<16xi32>
        %parallel_loop3A_288 = arith.addi %get3A_94, %parallel_loop3A_287 : vector<16xi32>
        %parallel_loop3A_289 = arith.constant 0 : i32
        %parallel_loop3A_290 = arith.constant 0 : i32
        %parallel_loop3A_291 = tpu.memref_slice %arg8[%and3A_71, %parallel_loop3A_289, %parallel_loop3A_290] : memref<4x128x128xf32, #tpu.memory_space<vmem>> -> memref<1x128x128xf32, #tpu.memory_space<vmem>>
        %parallel_loop3A_292 = tpu.memref_squeeze %parallel_loop3A_291 : memref<1x128x128xf32, #tpu.memory_space<vmem>> -> memref<128x128xf32, #tpu.memory_space<vmem>>
        %parallel_loop3A_293 = tpu.vector_load_idx %parallel_loop3A_292[%add3A_118, %parallel_loop3A_288] : memref<128x128xf32, #tpu.memory_space<vmem>>[vector<16xi32>, vector<16xi32>], vector<16xf32>,
        %parallel_loop3A_294 = arith.index_cast %parallel_loop3A_216 : i32 to index
        %parallel_loop3A_295 = arith.constant 112 : index
        %parallel_loop3A_296 = tpu.vector_load %arg9[%parallel_loop3A_294, %parallel_loop3A_295] {strides = array<i32>} : memref<32x128xf32, #tpu.memory_space<vmem>>, vector<16xf32>,
        tpu.vector_store %arg9[%parallel_loop3A_294, %parallel_loop3A_295], %parallel_loop3A_293 {strides = array<i32>} : memref<32x128xf32, #tpu.memory_space<vmem>>, vector<16xf32>,
      } {sc.loop_unroll_factor = 4 : i64, sc.parallel_access}
      %dma_start3A_122 = arith.constant 0 : i32
      %dma_start3A_123 = tpu.memref_slice %arg4[%mul3A_50, %dma_start3A_122, %mul3A_2] : memref<50x32x4096xf32, #tpu.memory_space<hbm>> -> memref<1x32x128xf32, #tpu.memory_space<hbm>>
      %dma_start3A_124 = tpu.memref_squeeze %dma_start3A_123 : memref<1x32x128xf32, #tpu.memory_space<hbm>> -> memref<32x128xf32, #tpu.memory_space<hbm>>
      %dma_start3A_125 = arith.constant 0 : i32
      %dma_start3A_126 = tpu.memref_slice %arg4[%mul3A_50, %dma_start3A_125, %mul3A_2] : memref<50x32x4096xf32, #tpu.memory_space<hbm>> -> memref<1x32x128xf32, #tpu.memory_space<hbm>>
      %dma_start3A_127 = tpu.memref_squeeze %dma_start3A_126 : memref<1x32x128xf32, #tpu.memory_space<hbm>> -> memref<32x128xf32, #tpu.memory_space<hbm>>
      tpu.enqueue_dma source(%arg9 : memref<32x128xf32, #tpu.memory_space<vmem>>) target(%dma_start3A_127 : memref<32x128xf32, #tpu.memory_space<hbm>>) target_semaphore(%arg12 : memref<!tpu.dma_semaphore, #tpu.memory_space<semaphore_mem>>)
      %add3A_128 = arith.constant 3 : i32
      %add3A_129 = arith.addi %mul3A_50, %add3A_128 : i32
      %lt3A_130 = arith.constant 50 : i32
      %lt3A_131 = arith.cmpi slt, %add3A_129, %lt3A_130 : i32
      %convert_element_type3A_132 = arith.extui %lt3A_131 : i1 to i32
      %cond3A_133 = arith.constant 0 : i32
      %cond3A_134 = arith.cmpi ne, %convert_element_type3A_132, %cond3A_133 : i32
      scf.if %cond3A_134 {
        %add3A_216 = arith.constant 3 : i32
        %add3A_217 = arith.addi %mul3A_50, %add3A_216 : i32
        %and3A_218 = arith.constant 3 : i32
        %and3A_219 = arith.andi %add3A_217, %and3A_218 : i32
        %dma_start3A_220 = arith.constant 0 : i32
        %dma_start3A_221 = arith.constant 0 : i32
        %dma_start3A_222 = tpu.memref_slice %arg8[%and3A_219, %dma_start3A_220, %dma_start3A_221] : memref<4x128x128xf32, #tpu.memory_space<vmem>> -> memref<1x128x128xf32, #tpu.memory_space<vmem>>
        %dma_start3A_223 = tpu.memref_squeeze %dma_start3A_222 : memref<1x128x128xf32, #tpu.memory_space<vmem>> -> memref<128x128xf32, #tpu.memory_space<vmem>>
        %dma_start3A_224 = arith.constant 0 : i32
        %dma_start3A_225 = tpu.memref_slice %arg6[%add3A_217, %dma_start3A_224] : memref<50x128xi32, #tpu.memory_space<vmem>> -> memref<1x128xi32, #tpu.memory_space<vmem>>
        %dma_start3A_226 = tpu.memref_squeeze %dma_start3A_225 : memref<1x128xi32, #tpu.memory_space<vmem>> -> memref<128xi32, #tpu.memory_space<vmem>>
        %dma_start3A_227 = arith.constant 0 : i32
        %dma_start3A_228 = arith.constant 0 : i32
        %dma_start3A_229 = tpu.memref_slice %arg3[%dma_start3A_227, %dma_start3A_228] : memref<253952x128xf32, #tpu.memory_space<hbm>> -> memref<253952x128xf32, #tpu.memory_space<hbm>>
        tpu.enqueue_indirect_dma source(%dma_start3A_229 : memref<253952x128xf32, #tpu.memory_space<hbm>>) target(%dma_start3A_223 : memref<128x128xf32, #tpu.memory_space<vmem>>) offsets(%dma_start3A_226 : memref<128xi32, #tpu.memory_space<vmem>>) semaphore(%arg11 : memref<!tpu.dma_semaphore, #tpu.memory_space<semaphore_mem>>)
      } else {
      }
      %dma_wait3A_135 = arith.constant 0 : i32
      %dma_wait3A_136 = arith.constant 0 : i32
      %dma_wait3A_137 = arith.constant 0 : i32
      %dma_wait3A_138 = arith.constant 0 : i32
      %dma_wait3A_139 = tpu.memref_slice %arg8[%dma_wait3A_136, %dma_wait3A_137, %dma_wait3A_138] : memref<4x128x128xf32, #tpu.memory_space<vmem>> -> memref<1x128x128xf32, #tpu.memory_space<vmem>>
      %dma_wait3A_140 = tpu.memref_squeeze %dma_wait3A_139 : memref<1x128x128xf32, #tpu.memory_space<vmem>> -> memref<128x128xf32, #tpu.memory_space<vmem>>
      %dma_wait3A_141 = arith.constant 0 : i32
      %dma_wait3A_142 = tpu.memref_slice %arg6[%dma_wait3A_135, %dma_wait3A_141] : memref<50x128xi32, #tpu.memory_space<vmem>> -> memref<1x128xi32, #tpu.memory_space<vmem>>
      %dma_wait3A_143 = tpu.memref_squeeze %dma_wait3A_142 : memref<1x128xi32, #tpu.memory_space<vmem>> -> memref<128xi32, #tpu.memory_space<vmem>>
      %dma_wait3A_144 = arith.constant 0 : i32
      %dma_wait3A_145 = arith.constant 0 : i32
      %dma_wait3A_146 = tpu.memref_slice %arg3[%dma_wait3A_144, %dma_wait3A_145] : memref<253952x128xf32, #tpu.memory_space<hbm>> -> memref<253952x128xf32, #tpu.memory_space<hbm>>
      tpu.wait_indirect_dma semaphore(%arg11 : memref<!tpu.dma_semaphore, #tpu.memory_space<semaphore_mem>>) src(%dma_wait3A_146 : memref<253952x128xf32, #tpu.memory_space<hbm>>) dst(%dma_wait3A_140 : memref<128x128xf32, #tpu.memory_space<vmem>>)
      %ge3A_147 = arith.constant 2 : i32
      %ge3A_148 = arith.cmpi sge, %mul3A_50, %ge3A_147 : i32
      %convert_element_type3A_149 = arith.extui %ge3A_148 : i1 to i32
      %cond3A_150 = arith.constant 0 : i32
      %cond3A_151 = arith.cmpi ne, %convert_element_type3A_149, %cond3A_150 : i32
      scf.if %cond3A_151 {
        %dma_wait3A_216 = arith.constant 0 : i32
        %dma_wait3A_217 = arith.constant 0 : i32
        %dma_wait3A_218 = tpu.memref_slice %arg4[%dma_wait3A_216, %dma_wait3A_217, %mul3A_2] : memref<50x32x4096xf32, #tpu.memory_space<hbm>> -> memref<1x32x128xf32, #tpu.memory_space<hbm>>
        %dma_wait3A_219 = tpu.memref_squeeze %dma_wait3A_218 : memref<1x32x128xf32, #tpu.memory_space<hbm>> -> memref<32x128xf32, #tpu.memory_space<hbm>>
        %dma_wait3A_220 = arith.constant 0 : i32
        %dma_wait3A_221 = tpu.memref_slice %arg4[%dma_wait3A_216, %dma_wait3A_220, %mul3A_2] : memref<50x32x4096xf32, #tpu.memory_space<hbm>> -> memref<1x32x128xf32, #tpu.memory_space<hbm>>
        %dma_wait3A_222 = tpu.memref_squeeze %dma_wait3A_221 : memref<1x32x128xf32, #tpu.memory_space<hbm>> -> memref<32x128xf32, #tpu.memory_space<hbm>>
        tpu.wait_dma2 semaphore(%arg12 : memref<!tpu.dma_semaphore, #tpu.memory_space<semaphore_mem>>) src(%arg10 : memref<32x128xf32, #tpu.memory_space<vmem>>) dst(%dma_wait3A_222 : memref<32x128xf32, #tpu.memory_space<hbm>>)
      } else {
      }
      %add3A_152 = arith.constant 1 : i32
      %add3A_153 = arith.addi %mul3A_50, %add3A_152 : i32
      %and3A_154 = arith.constant 3 : i32
      %and3A_155 = arith.andi %add3A_153, %and3A_154 : i32
      %add3A_156 = arith.constant 1 : i32
      %add3A_157 = arith.addi %mul3A_50, %add3A_156 : i32
      %get3A_158 = arith.index_cast %add3A_157 : i32 to index
      %get3A_159 = arith.constant 0 : index
      %get3A_160 = tpu.vector_load %arg7[%get3A_158, %get3A_159] {strides = array<i32>} : memref<50x128xi32, #tpu.memory_space<vmem>>, vector<16xi32>,
      %get3A_161 = arith.index_cast %add3A_157 : i32 to index
      %get3A_162 = arith.constant 16 : index
      %get3A_163 = tpu.vector_load %arg7[%get3A_161, %get3A_162] {strides = array<i32>} : memref<50x128xi32, #tpu.memory_space<vmem>>, vector<16xi32>,
      %get3A_164 = arith.index_cast %add3A_157 : i32 to index
      %get3A_165 = arith.constant 32 : index
      %get3A_166 = tpu.vector_load %arg7[%get3A_164, %get3A_165] {strides = array<i32>} : memref<50x128xi32, #tpu.memory_space<vmem>>, vector<16xi32>,
      %get3A_167 = arith.index_cast %add3A_157 : i32 to index
      %get3A_168 = arith.constant 48 : index
      %get3A_169 = tpu.vector_load %arg7[%get3A_167, %get3A_168] {strides = array<i32>} : memref<50x128xi32, #tpu.memory_space<vmem>>, vector<16xi32>,
      %get3A_170 = arith.index_cast %add3A_157 : i32 to index
      %get3A_171 = arith.constant 64 : index
      %get3A_172 = tpu.vector_load %arg7[%get3A_170, %get3A_171] {strides = array<i32>} : memref<50x128xi32, #tpu.memory_space<vmem>>, vector<16xi32>,
      %get3A_173 = arith.index_cast %add3A_157 : i32 to index
      %get3A_174 = arith.constant 80 : index
      %get3A_175 = tpu.vector_load %arg7[%get3A_173, %get3A_174] {strides = array<i32>} : memref<50x128xi32, #tpu.memory_space<vmem>>, vector<16xi32>,
      %get3A_176 = arith.index_cast %add3A_157 : i32 to index
      %get3A_177 = arith.constant 96 : index
      %get3A_178 = tpu.vector_load %arg7[%get3A_176, %get3A_177] {strides = array<i32>} : memref<50x128xi32, #tpu.memory_space<vmem>>, vector<16xi32>,
      %get3A_179 = arith.index_cast %add3A_157 : i32 to index
      %get3A_180 = arith.constant 112 : index
      %get3A_181 = tpu.vector_load %arg7[%get3A_179, %get3A_180] {strides = array<i32>} : memref<50x128xi32, #tpu.memory_space<vmem>>, vector<16xi32>,
      %add3A_182 = arith.constant 0 : i32
      %add3A_183 = vector.broadcast %add3A_182 : i32 to vector<16xi32>
      %add3A_184 = arith.addi %iota3A, %add3A_183 : vector<16xi32>
      %add3A_185 = arith.constant 16 : i32
      %add3A_186 = vector.broadcast %add3A_185 : i32 to vector<16xi32>
      %add3A_187 = arith.addi %iota3A, %add3A_186 : vector<16xi32>
      %add3A_188 = arith.constant 32 : i32
      %add3A_189 = vector.broadcast %add3A_188 : i32 to vector<16xi32>
      %add3A_190 = arith.addi %iota3A, %add3A_189 : vector<16xi32>
      %add3A_191 = arith.constant 48 : i32
      %add3A_192 = vector.broadcast %add3A_191 : i32 to vector<16xi32>
      %add3A_193 = arith.addi %iota3A, %add3A_192 : vector<16xi32>
      %add3A_194 = arith.constant 64 : i32
      %add3A_195 = vector.broadcast %add3A_194 : i32 to vector<16xi32>
      %add3A_196 = arith.addi %iota3A, %add3A_195 : vector<16xi32>
      %add3A_197 = arith.constant 80 : i32
      %add3A_198 = vector.broadcast %add3A_197 : i32 to vector<16xi32>
      %add3A_199 = arith.addi %iota3A, %add3A_198 : vector<16xi32>
      %add3A_200 = arith.constant 96 : i32
      %add3A_201 = vector.broadcast %add3A_200 : i32 to vector<16xi32>
      %add3A_202 = arith.addi %iota3A, %add3A_201 : vector<16xi32>
      %add3A_203 = arith.constant 112 : i32
      %add3A_204 = vector.broadcast %add3A_203 : i32 to vector<16xi32>
      %add3A_205 = arith.addi %iota3A, %add3A_204 : vector<16xi32>
      %parallel_loop3A_206 = arith.constant 0 : i32
      %parallel_loop3A_207 = arith.constant 32 : i32
      %parallel_loop3A_208 = arith.constant 1 : i32
      scf.for %parallel_loop3A_216 = %parallel_loop3A_206 to %parallel_loop3A_207 step %parallel_loop3A_208  : i32 {
        %parallel_loop3A_217 = vector.broadcast %parallel_loop3A_216 : i32 to vector<16xi32>
        %parallel_loop3A_218 = arith.addi %get3A_160, %parallel_loop3A_217 : vector<16xi32>
        %parallel_loop3A_219 = arith.constant 0 : i32
        %parallel_loop3A_220 = arith.constant 0 : i32
        %parallel_loop3A_221 = tpu.memref_slice %arg8[%and3A_155, %parallel_loop3A_219, %parallel_loop3A_220] : memref<4x128x128xf32, #tpu.memory_space<vmem>> -> memref<1x128x128xf32, #tpu.memory_space<vmem>>
        %parallel_loop3A_222 = tpu.memref_squeeze %parallel_loop3A_221 : memref<1x128x128xf32, #tpu.memory_space<vmem>> -> memref<128x128xf32, #tpu.memory_space<vmem>>
        %parallel_loop3A_223 = tpu.vector_load_idx %parallel_loop3A_222[%add3A_184, %parallel_loop3A_218] : memref<128x128xf32, #tpu.memory_space<vmem>>[vector<16xi32>, vector<16xi32>], vector<16xf32>,
        %parallel_loop3A_224 = arith.index_cast %parallel_loop3A_216 : i32 to index
        %parallel_loop3A_225 = arith.constant 0 : index
        %parallel_loop3A_226 = tpu.vector_load %arg10[%parallel_loop3A_224, %parallel_loop3A_225] {strides = array<i32>} : memref<32x128xf32, #tpu.memory_space<vmem>>, vector<16xf32>,
        tpu.vector_store %arg10[%parallel_loop3A_224, %parallel_loop3A_225], %parallel_loop3A_223 {strides = array<i32>} : memref<32x128xf32, #tpu.memory_space<vmem>>, vector<16xf32>,
        %parallel_loop3A_227 = vector.broadcast %parallel_loop3A_216 : i32 to vector<16xi32>
        %parallel_loop3A_228 = arith.addi %get3A_163, %parallel_loop3A_227 : vector<16xi32>
        %parallel_loop3A_229 = arith.constant 0 : i32
        %parallel_loop3A_230 = arith.constant 0 : i32
        %parallel_loop3A_231 = tpu.memref_slice %arg8[%and3A_155, %parallel_loop3A_229, %parallel_loop3A_230] : memref<4x128x128xf32, #tpu.memory_space<vmem>> -> memref<1x128x128xf32, #tpu.memory_space<vmem>>
        %parallel_loop3A_232 = tpu.memref_squeeze %parallel_loop3A_231 : memref<1x128x128xf32, #tpu.memory_space<vmem>> -> memref<128x128xf32, #tpu.memory_space<vmem>>
        %parallel_loop3A_233 = tpu.vector_load_idx %parallel_loop3A_232[%add3A_187, %parallel_loop3A_228] : memref<128x128xf32, #tpu.memory_space<vmem>>[vector<16xi32>, vector<16xi32>], vector<16xf32>,
        %parallel_loop3A_234 = arith.index_cast %parallel_loop3A_216 : i32 to index
        %parallel_loop3A_235 = arith.constant 16 : index
        %parallel_loop3A_236 = tpu.vector_load %arg10[%parallel_loop3A_234, %parallel_loop3A_235] {strides = array<i32>} : memref<32x128xf32, #tpu.memory_space<vmem>>, vector<16xf32>,
        tpu.vector_store %arg10[%parallel_loop3A_234, %parallel_loop3A_235], %parallel_loop3A_233 {strides = array<i32>} : memref<32x128xf32, #tpu.memory_space<vmem>>, vector<16xf32>,
        %parallel_loop3A_237 = vector.broadcast %parallel_loop3A_216 : i32 to vector<16xi32>
        %parallel_loop3A_238 = arith.addi %get3A_166, %parallel_loop3A_237 : vector<16xi32>
        %parallel_loop3A_239 = arith.constant 0 : i32
        %parallel_loop3A_240 = arith.constant 0 : i32
        %parallel_loop3A_241 = tpu.memref_slice %arg8[%and3A_155, %parallel_loop3A_239, %parallel_loop3A_240] : memref<4x128x128xf32, #tpu.memory_space<vmem>> -> memref<1x128x128xf32, #tpu.memory_space<vmem>>
        %parallel_loop3A_242 = tpu.memref_squeeze %parallel_loop3A_241 : memref<1x128x128xf32, #tpu.memory_space<vmem>> -> memref<128x128xf32, #tpu.memory_space<vmem>>
        %parallel_loop3A_243 = tpu.vector_load_idx %parallel_loop3A_242[%add3A_190, %parallel_loop3A_238] : memref<128x128xf32, #tpu.memory_space<vmem>>[vector<16xi32>, vector<16xi32>], vector<16xf32>,
        %parallel_loop3A_244 = arith.index_cast %parallel_loop3A_216 : i32 to index
        %parallel_loop3A_245 = arith.constant 32 : index
        %parallel_loop3A_246 = tpu.vector_load %arg10[%parallel_loop3A_244, %parallel_loop3A_245] {strides = array<i32>} : memref<32x128xf32, #tpu.memory_space<vmem>>, vector<16xf32>,
        tpu.vector_store %arg10[%parallel_loop3A_244, %parallel_loop3A_245], %parallel_loop3A_243 {strides = array<i32>} : memref<32x128xf32, #tpu.memory_space<vmem>>, vector<16xf32>,
        %parallel_loop3A_247 = vector.broadcast %parallel_loop3A_216 : i32 to vector<16xi32>
        %parallel_loop3A_248 = arith.addi %get3A_169, %parallel_loop3A_247 : vector<16xi32>
        %parallel_loop3A_249 = arith.constant 0 : i32
        %parallel_loop3A_250 = arith.constant 0 : i32
        %parallel_loop3A_251 = tpu.memref_slice %arg8[%and3A_155, %parallel_loop3A_249, %parallel_loop3A_250] : memref<4x128x128xf32, #tpu.memory_space<vmem>> -> memref<1x128x128xf32, #tpu.memory_space<vmem>>
        %parallel_loop3A_252 = tpu.memref_squeeze %parallel_loop3A_251 : memref<1x128x128xf32, #tpu.memory_space<vmem>> -> memref<128x128xf32, #tpu.memory_space<vmem>>
        %parallel_loop3A_253 = tpu.vector_load_idx %parallel_loop3A_252[%add3A_193, %parallel_loop3A_248] : memref<128x128xf32, #tpu.memory_space<vmem>>[vector<16xi32>, vector<16xi32>], vector<16xf32>,
        %parallel_loop3A_254 = arith.index_cast %parallel_loop3A_216 : i32 to index
        %parallel_loop3A_255 = arith.constant 48 : index
        %parallel_loop3A_256 = tpu.vector_load %arg10[%parallel_loop3A_254, %parallel_loop3A_255] {strides = array<i32>} : memref<32x128xf32, #tpu.memory_space<vmem>>, vector<16xf32>,
        tpu.vector_store %arg10[%parallel_loop3A_254, %parallel_loop3A_255], %parallel_loop3A_253 {strides = array<i32>} : memref<32x128xf32, #tpu.memory_space<vmem>>, vector<16xf32>,
        %parallel_loop3A_257 = vector.broadcast %parallel_loop3A_216 : i32 to vector<16xi32>
        %parallel_loop3A_258 = arith.addi %get3A_172, %parallel_loop3A_257 : vector<16xi32>
        %parallel_loop3A_259 = arith.constant 0 : i32
        %parallel_loop3A_260 = arith.constant 0 : i32
        %parallel_loop3A_261 = tpu.memref_slice %arg8[%and3A_155, %parallel_loop3A_259, %parallel_loop3A_260] : memref<4x128x128xf32, #tpu.memory_space<vmem>> -> memref<1x128x128xf32, #tpu.memory_space<vmem>>
        %parallel_loop3A_262 = tpu.memref_squeeze %parallel_loop3A_261 : memref<1x128x128xf32, #tpu.memory_space<vmem>> -> memref<128x128xf32, #tpu.memory_space<vmem>>
        %parallel_loop3A_263 = tpu.vector_load_idx %parallel_loop3A_262[%add3A_196, %parallel_loop3A_258] : memref<128x128xf32, #tpu.memory_space<vmem>>[vector<16xi32>, vector<16xi32>], vector<16xf32>,
        %parallel_loop3A_264 = arith.index_cast %parallel_loop3A_216 : i32 to index
        %parallel_loop3A_265 = arith.constant 64 : index
        %parallel_loop3A_266 = tpu.vector_load %arg10[%parallel_loop3A_264, %parallel_loop3A_265] {strides = array<i32>} : memref<32x128xf32, #tpu.memory_space<vmem>>, vector<16xf32>,
        tpu.vector_store %arg10[%parallel_loop3A_264, %parallel_loop3A_265], %parallel_loop3A_263 {strides = array<i32>} : memref<32x128xf32, #tpu.memory_space<vmem>>, vector<16xf32>,
        %parallel_loop3A_267 = vector.broadcast %parallel_loop3A_216 : i32 to vector<16xi32>
        %parallel_loop3A_268 = arith.addi %get3A_175, %parallel_loop3A_267 : vector<16xi32>
        %parallel_loop3A_269 = arith.constant 0 : i32
        %parallel_loop3A_270 = arith.constant 0 : i32
        %parallel_loop3A_271 = tpu.memref_slice %arg8[%and3A_155, %parallel_loop3A_269, %parallel_loop3A_270] : memref<4x128x128xf32, #tpu.memory_space<vmem>> -> memref<1x128x128xf32, #tpu.memory_space<vmem>>
        %parallel_loop3A_272 = tpu.memref_squeeze %parallel_loop3A_271 : memref<1x128x128xf32, #tpu.memory_space<vmem>> -> memref<128x128xf32, #tpu.memory_space<vmem>>
        %parallel_loop3A_273 = tpu.vector_load_idx %parallel_loop3A_272[%add3A_199, %parallel_loop3A_268] : memref<128x128xf32, #tpu.memory_space<vmem>>[vector<16xi32>, vector<16xi32>], vector<16xf32>,
        %parallel_loop3A_274 = arith.index_cast %parallel_loop3A_216 : i32 to index
        %parallel_loop3A_275 = arith.constant 80 : index
        %parallel_loop3A_276 = tpu.vector_load %arg10[%parallel_loop3A_274, %parallel_loop3A_275] {strides = array<i32>} : memref<32x128xf32, #tpu.memory_space<vmem>>, vector<16xf32>,
        tpu.vector_store %arg10[%parallel_loop3A_274, %parallel_loop3A_275], %parallel_loop3A_273 {strides = array<i32>} : memref<32x128xf32, #tpu.memory_space<vmem>>, vector<16xf32>,
        %parallel_loop3A_277 = vector.broadcast %parallel_loop3A_216 : i32 to vector<16xi32>
        %parallel_loop3A_278 = arith.addi %get3A_178, %parallel_loop3A_277 : vector<16xi32>
        %parallel_loop3A_279 = arith.constant 0 : i32
        %parallel_loop3A_280 = arith.constant 0 : i32
        %parallel_loop3A_281 = tpu.memref_slice %arg8[%and3A_155, %parallel_loop3A_279, %parallel_loop3A_280] : memref<4x128x128xf32, #tpu.memory_space<vmem>> -> memref<1x128x128xf32, #tpu.memory_space<vmem>>
        %parallel_loop3A_282 = tpu.memref_squeeze %parallel_loop3A_281 : memref<1x128x128xf32, #tpu.memory_space<vmem>> -> memref<128x128xf32, #tpu.memory_space<vmem>>
        %parallel_loop3A_283 = tpu.vector_load_idx %parallel_loop3A_282[%add3A_202, %parallel_loop3A_278] : memref<128x128xf32, #tpu.memory_space<vmem>>[vector<16xi32>, vector<16xi32>], vector<16xf32>,
        %parallel_loop3A_284 = arith.index_cast %parallel_loop3A_216 : i32 to index
        %parallel_loop3A_285 = arith.constant 96 : index
        %parallel_loop3A_286 = tpu.vector_load %arg10[%parallel_loop3A_284, %parallel_loop3A_285] {strides = array<i32>} : memref<32x128xf32, #tpu.memory_space<vmem>>, vector<16xf32>,
        tpu.vector_store %arg10[%parallel_loop3A_284, %parallel_loop3A_285], %parallel_loop3A_283 {strides = array<i32>} : memref<32x128xf32, #tpu.memory_space<vmem>>, vector<16xf32>,
        %parallel_loop3A_287 = vector.broadcast %parallel_loop3A_216 : i32 to vector<16xi32>
        %parallel_loop3A_288 = arith.addi %get3A_181, %parallel_loop3A_287 : vector<16xi32>
        %parallel_loop3A_289 = arith.constant 0 : i32
        %parallel_loop3A_290 = arith.constant 0 : i32
        %parallel_loop3A_291 = tpu.memref_slice %arg8[%and3A_155, %parallel_loop3A_289, %parallel_loop3A_290] : memref<4x128x128xf32, #tpu.memory_space<vmem>> -> memref<1x128x128xf32, #tpu.memory_space<vmem>>
        %parallel_loop3A_292 = tpu.memref_squeeze %parallel_loop3A_291 : memref<1x128x128xf32, #tpu.memory_space<vmem>> -> memref<128x128xf32, #tpu.memory_space<vmem>>
        %parallel_loop3A_293 = tpu.vector_load_idx %parallel_loop3A_292[%add3A_205, %parallel_loop3A_288] : memref<128x128xf32, #tpu.memory_space<vmem>>[vector<16xi32>, vector<16xi32>], vector<16xf32>,
        %parallel_loop3A_294 = arith.index_cast %parallel_loop3A_216 : i32 to index
        %parallel_loop3A_295 = arith.constant 112 : index
        %parallel_loop3A_296 = tpu.vector_load %arg10[%parallel_loop3A_294, %parallel_loop3A_295] {strides = array<i32>} : memref<32x128xf32, #tpu.memory_space<vmem>>, vector<16xf32>,
        tpu.vector_store %arg10[%parallel_loop3A_294, %parallel_loop3A_295], %parallel_loop3A_293 {strides = array<i32>} : memref<32x128xf32, #tpu.memory_space<vmem>>, vector<16xf32>,
      } {sc.loop_unroll_factor = 4 : i64, sc.parallel_access}
      %dma_start3A_209 = arith.constant 0 : i32
      %dma_start3A_210 = tpu.memref_slice %arg4[%add3A_157, %dma_start3A_209, %mul3A_2] : memref<50x32x4096xf32, #tpu.memory_space<hbm>> -> memref<1x32x128xf32, #tpu.memory_space<hbm>>
      %dma_start3A_211 = tpu.memref_squeeze %dma_start3A_210 : memref<1x32x128xf32, #tpu.memory_space<hbm>> -> memref<32x128xf32, #tpu.memory_space<hbm>>
      %dma_start3A_212 = arith.constant 0 : i32
      %dma_start3A_213 = tpu.memref_slice %arg4[%add3A_157, %dma_start3A_212, %mul3A_2] : memref<50x32x4096xf32, #tpu.memory_space<hbm>> -> memref<1x32x128xf32, #tpu.memory_space<hbm>>
      %dma_start3A_214 = tpu.memref_squeeze %dma_start3A_213 : memref<1x32x128xf32, #tpu.memory_space<hbm>> -> memref<32x128xf32, #tpu.memory_space<hbm>>
      tpu.enqueue_dma source(%arg10 : memref<32x128xf32, #tpu.memory_space<vmem>>) target(%dma_start3A_214 : memref<32x128xf32, #tpu.memory_space<hbm>>) target_semaphore(%arg12 : memref<!tpu.dma_semaphore, #tpu.memory_space<semaphore_mem>>)
      %scan3A_215 = arith.constant 0 : i32
      scf.yield %scan3A_215 : i32
    }
    %scan3A_33 = arith.constant 25 : i32
    %dma_wait3A = arith.constant 0 : i32
    %dma_wait3A_34 = arith.constant 0 : i32
    %dma_wait3A_35 = tpu.memref_slice %arg4[%dma_wait3A, %dma_wait3A_34, %mul3A_2] : memref<50x32x4096xf32, #tpu.memory_space<hbm>> -> memref<1x32x128xf32, #tpu.memory_space<hbm>>
    %dma_wait3A_36 = tpu.memref_squeeze %dma_wait3A_35 : memref<1x32x128xf32, #tpu.memory_space<hbm>> -> memref<32x128xf32, #tpu.memory_space<hbm>>
    %dma_wait3A_37 = arith.constant 0 : i32
    %dma_wait3A_38 = tpu.memref_slice %arg4[%dma_wait3A, %dma_wait3A_37, %mul3A_2] : memref<50x32x4096xf32, #tpu.memory_space<hbm>> -> memref<1x32x128xf32, #tpu.memory_space<hbm>>
    %dma_wait3A_39 = tpu.memref_squeeze %dma_wait3A_38 : memref<1x32x128xf32, #tpu.memory_space<hbm>> -> memref<32x128xf32, #tpu.memory_space<hbm>>
    tpu.wait_dma2 semaphore(%arg12 : memref<!tpu.dma_semaphore, #tpu.memory_space<semaphore_mem>>) src(%arg9 : memref<32x128xf32, #tpu.memory_space<vmem>>) dst(%dma_wait3A_39 : memref<32x128xf32, #tpu.memory_space<hbm>>)
    %dma_wait3A_40 = arith.constant 0 : i32
    %dma_wait3A_41 = arith.constant 0 : i32
    %dma_wait3A_42 = tpu.memref_slice %arg4[%dma_wait3A_40, %dma_wait3A_41, %mul3A_2] : memref<50x32x4096xf32, #tpu.memory_space<hbm>> -> memref<1x32x128xf32, #tpu.memory_space<hbm>>
    %dma_wait3A_43 = tpu.memref_squeeze %dma_wait3A_42 : memref<1x32x128xf32, #tpu.memory_space<hbm>> -> memref<32x128xf32, #tpu.memory_space<hbm>>
    %dma_wait3A_44 = arith.constant 0 : i32
    %dma_wait3A_45 = tpu.memref_slice %arg4[%dma_wait3A_40, %dma_wait3A_44, %mul3A_2] : memref<50x32x4096xf32, #tpu.memory_space<hbm>> -> memref<1x32x128xf32, #tpu.memory_space<hbm>>
    %dma_wait3A_46 = tpu.memref_squeeze %dma_wait3A_45 : memref<1x32x128xf32, #tpu.memory_space<hbm>> -> memref<32x128xf32, #tpu.memory_space<hbm>>
    tpu.wait_dma2 semaphore(%arg12 : memref<!tpu.dma_semaphore, #tpu.memory_space<semaphore_mem>>) src(%arg10 : memref<32x128xf32, #tpu.memory_space<vmem>>) dst(%dma_wait3A_46 : memref<32x128xf32, #tpu.memory_space<hbm>>)
    return
  }
}

module attributes {stable_mosaic.version = 14 : i64} {
  func.func @repack_body(%arg0: i32, %arg1: memref<32x32768xf32, #tpu.memory_space<vmem>>, %arg2: memref<8192x128xf32, #tpu.memory_space<vmem>>) attributes {dimension_semantics = [#tpu.dimension_semantics<arbitrary>], iteration_bounds = array<i64: 31>, scalar_prefetch = 0 : i64, scratch_operands = 0 : i64, tpu.core_type = #tpu.core_type<tc>, window_params = [{transform_indices = @transform_0, window_bounds = array<i64: 32, 32768>}, {transform_indices = @transform_1, window_bounds = array<i64: 8192, 128>}]} {
    %get3A = arith.constant 0 : index
    %get3A_0 = arith.constant 0 : index
    %get3A_1 = vector.load %arg1[%get3A, %get3A_0] : memref<32x32768xf32, #tpu.memory_space<vmem>>, vector<32x32768xf32>
    %iota3A = tpu.iota {dimensions = array<i32: 0>} : vector<32x32xi32>
    %iota3A_2 = tpu.iota {dimensions = array<i32: 1>} : vector<32x32xi32>
    %add3A = arith.constant 0 : i32
    %add3A_3 = vector.broadcast %add3A : i32 to vector<32x32xi32>
    %add3A_4 = arith.addi %iota3A, %add3A_3 : vector<32x32xi32>
    %eq3A = arith.cmpi eq, %add3A_4, %iota3A_2 : vector<32x32xi32>
    %convert_element_type3A = arith.extui %eq3A : vector<32x32xi1> to vector<32x32xi32>
    %convert_element_type3A_5 = arith.sitofp %convert_element_type3A : vector<32x32xi32> to vector<32x32xf32>
    %jit3A = arith.constant 0 : i32
    %convert_element_type3A_6 = arith.sitofp %jit3A : i32 to f32
    %pad3A = vector.broadcast %convert_element_type3A_6 : f32 to vector<32x96xf32>
    %pad3A_7 = tpu.concatenate %convert_element_type3A_5, %pad3A in 1 : vector<32x32xf32>, vector<32x96xf32> -> vector<32x128xf32>
    %slice3A = vector.extract_strided_slice %get3A_1 {offsets = [0, 0], sizes = [32, 8192], strides = [1, 1]} : vector<32x32768xf32> to vector<32x8192xf32>
    %dot_general3A = arith.constant dense<0.000000e+00> : vector<8192x128xf32>
    %dot_general3A_8 = tpu.matmul %slice3A, %pad3A_7, %dot_general3A {dimension_numbers = #tpu.dot_dimension_numbers<[0], [0], [1], [1], [0, 1, 1, 1], [], []>, transpose_lhs_hint = true} : vector<32x8192xf32>, vector<32x128xf32>, vector<8192x128xf32> -> vector<8192x128xf32>
    %iota3A_9 = tpu.iota {dimensions = array<i32: 0>} : vector<32x32xi32>
    %iota3A_10 = tpu.iota {dimensions = array<i32: 1>} : vector<32x32xi32>
    %add3A_11 = arith.constant 0 : i32
    %add3A_12 = vector.broadcast %add3A_11 : i32 to vector<32x32xi32>
    %add3A_13 = arith.addi %iota3A_9, %add3A_12 : vector<32x32xi32>
    %eq3A_14 = arith.cmpi eq, %add3A_13, %iota3A_10 : vector<32x32xi32>
    %convert_element_type3A_15 = arith.extui %eq3A_14 : vector<32x32xi1> to vector<32x32xi32>
    %convert_element_type3A_16 = arith.sitofp %convert_element_type3A_15 : vector<32x32xi32> to vector<32x32xf32>
    %jit3A_17 = arith.constant 0 : i32
    %convert_element_type3A_18 = arith.sitofp %jit3A_17 : i32 to f32
    %pad3A_19 = vector.broadcast %convert_element_type3A_18 : f32 to vector<32x32xf32>
    %pad3A_20 = tpu.concatenate %pad3A_19, %convert_element_type3A_16 in 1 : vector<32x32xf32>, vector<32x32xf32> -> vector<32x64xf32>
    %pad3A_21 = vector.broadcast %convert_element_type3A_18 : f32 to vector<32x64xf32>
    %pad3A_22 = tpu.concatenate %pad3A_20, %pad3A_21 in 1 : vector<32x64xf32>, vector<32x64xf32> -> vector<32x128xf32>
    %slice3A_23 = vector.extract_strided_slice %get3A_1 {offsets = [0, 8192], sizes = [32, 8192], strides = [1, 1]} : vector<32x32768xf32> to vector<32x8192xf32>
    %dot_general3A_24 = arith.constant dense<0.000000e+00> : vector<8192x128xf32>
    %dot_general3A_25 = tpu.matmul %slice3A_23, %pad3A_22, %dot_general3A_24 {dimension_numbers = #tpu.dot_dimension_numbers<[0], [0], [1], [1], [0, 1, 1, 1], [], []>, transpose_lhs_hint = true} : vector<32x8192xf32>, vector<32x128xf32>, vector<8192x128xf32> -> vector<8192x128xf32>
    %add3A_26 = arith.addf %dot_general3A_8, %dot_general3A_25 : vector<8192x128xf32>
    %iota3A_27 = tpu.iota {dimensions = array<i32: 0>} : vector<32x32xi32>
    %iota3A_28 = tpu.iota {dimensions = array<i32: 1>} : vector<32x32xi32>
    %add3A_29 = arith.constant 0 : i32
    %add3A_30 = vector.broadcast %add3A_29 : i32 to vector<32x32xi32>
    %add3A_31 = arith.addi %iota3A_27, %add3A_30 : vector<32x32xi32>
    %eq3A_32 = arith.cmpi eq, %add3A_31, %iota3A_28 : vector<32x32xi32>
    %convert_element_type3A_33 = arith.extui %eq3A_32 : vector<32x32xi1> to vector<32x32xi32>
    %convert_element_type3A_34 = arith.sitofp %convert_element_type3A_33 : vector<32x32xi32> to vector<32x32xf32>
    %jit3A_35 = arith.constant 0 : i32
    %convert_element_type3A_36 = arith.sitofp %jit3A_35 : i32 to f32
    %pad3A_37 = vector.broadcast %convert_element_type3A_36 : f32 to vector<32x64xf32>
    %pad3A_38 = tpu.concatenate %pad3A_37, %convert_element_type3A_34 in 1 : vector<32x64xf32>, vector<32x32xf32> -> vector<32x96xf32>
    %pad3A_39 = vector.broadcast %convert_element_type3A_36 : f32 to vector<32x32xf32>
    %pad3A_40 = tpu.concatenate %pad3A_38, %pad3A_39 in 1 : vector<32x96xf32>, vector<32x32xf32> -> vector<32x128xf32>
    %slice3A_41 = vector.extract_strided_slice %get3A_1 {offsets = [0, 16384], sizes = [32, 8192], strides = [1, 1]} : vector<32x32768xf32> to vector<32x8192xf32>
    %dot_general3A_42 = arith.constant dense<0.000000e+00> : vector<8192x128xf32>
    %dot_general3A_43 = tpu.matmul %slice3A_41, %pad3A_40, %dot_general3A_42 {dimension_numbers = #tpu.dot_dimension_numbers<[0], [0], [1], [1], [0, 1, 1, 1], [], []>, transpose_lhs_hint = true} : vector<32x8192xf32>, vector<32x128xf32>, vector<8192x128xf32> -> vector<8192x128xf32>
    %add3A_44 = arith.addf %add3A_26, %dot_general3A_43 : vector<8192x128xf32>
    %iota3A_45 = tpu.iota {dimensions = array<i32: 0>} : vector<32x32xi32>
    %iota3A_46 = tpu.iota {dimensions = array<i32: 1>} : vector<32x32xi32>
    %add3A_47 = arith.constant 0 : i32
    %add3A_48 = vector.broadcast %add3A_47 : i32 to vector<32x32xi32>
    %add3A_49 = arith.addi %iota3A_45, %add3A_48 : vector<32x32xi32>
    %eq3A_50 = arith.cmpi eq, %add3A_49, %iota3A_46 : vector<32x32xi32>
    %convert_element_type3A_51 = arith.extui %eq3A_50 : vector<32x32xi1> to vector<32x32xi32>
    %convert_element_type3A_52 = arith.sitofp %convert_element_type3A_51 : vector<32x32xi32> to vector<32x32xf32>
    %jit3A_53 = arith.constant 0 : i32
    %convert_element_type3A_54 = arith.sitofp %jit3A_53 : i32 to f32
    %pad3A_55 = vector.broadcast %convert_element_type3A_54 : f32 to vector<32x96xf32>
    %pad3A_56 = tpu.concatenate %pad3A_55, %convert_element_type3A_52 in 1 : vector<32x96xf32>, vector<32x32xf32> -> vector<32x128xf32>
    %slice3A_57 = vector.extract_strided_slice %get3A_1 {offsets = [0, 24576], sizes = [32, 8192], strides = [1, 1]} : vector<32x32768xf32> to vector<32x8192xf32>
    %dot_general3A_58 = arith.constant dense<0.000000e+00> : vector<8192x128xf32>
    %dot_general3A_59 = tpu.matmul %slice3A_57, %pad3A_56, %dot_general3A_58 {dimension_numbers = #tpu.dot_dimension_numbers<[0], [0], [1], [1], [0, 1, 1, 1], [], []>, transpose_lhs_hint = true} : vector<32x8192xf32>, vector<32x128xf32>, vector<8192x128xf32> -> vector<8192x128xf32>
    %add3A_60 = arith.addf %add3A_44, %dot_general3A_59 : vector<8192x128xf32>
    %swap3A = arith.constant 0 : index
    %swap3A_61 = arith.constant 0 : index
    %swap3A_62 = vector.load %arg2[%swap3A, %swap3A_61] : memref<8192x128xf32, #tpu.memory_space<vmem>>, vector<8192x128xf32>
    tpu.vector_store %arg2[%swap3A, %swap3A_61], %add3A_60 {strides = array<i32>} : memref<8192x128xf32, #tpu.memory_space<vmem>>, vector<8192x128xf32>,
    return
  }
  func.func @transform_0(%arg0: i32) -> (i32, i32) {
    %c0_i32 = arith.constant 0 : i32
    %c0_i32_0 = arith.constant 0 : i32
    return %c0_i32, %arg0 : i32, i32
  }
  func.func @transform_1(%arg0: i32) -> (i32, i32) {
    %c0_i32 = arith.constant 0 : i32
    %c0_i32_0 = arith.constant 0 : i32
    return %arg0, %c0_i32 : i32, i32
  }
}

</mosaic_0001>

<sc_bundles>
// kernel: kernel.4.cloned.1.call-start
scs
__scs_entry_jumppad:
0x0: {  	(pc) =	sbr.rel $0x88, $3  }
0x1: {  	(tag) =	ssettag $0x0;
	lr =	simm.s32 $0x1  }
0x2: {  	[smem:$0x3F9F] =	sst lr;
	_ =	strace $0xD0000000  }
0x3: {  	_ = 	snop  }
0x4: {  	_ = 	snop  }
0x5: {  	_ = 	snop  }
0x6: {  	_ = 	snop  }
0x7: {  	_ = 	snop  }
__scs_overlays_trampoline_lowered:
0x8: {  	[smem:$0x3FAE] =	sst s0  }
0x9: {  	[smem:$0x3FAF] =	sst s1  }
0xa: {  	[smem:$0x3FB0] =	sst s2  }
0xb: {  	[smem:$0x3FB1] =	sst s3  }
0xc: {  	[smem:$0x3FB2] =	sst s4  }
0xd: {  	[smem:$0x3FB3] =	sst s5  }
0xe: {  	[smem:$0x3FB4] =	sst s6  }
0xf: {  	[smem:$0x3FB5] =	sst s7  }
0x10: {  	[smem:$0x3FB6] =	sst s8  }
0x11: {  	[smem:$0x3FB7] =	sst s9;
	s0 =	simm.s32 @!p0 $0x0  }
0x12: {  	s1 =	sld [smem:$0x3F9D];
	s0 =	simm.s32 @p0 $0x1  }
0x13: {  	[smem:$0x3FB8] =	sst s0;
	s0 =	simm.s32 @!p1 $0x0  }
0x14: {  	s2 =	sld [smem:$0x3F9C];
	s0 =	simm.s32 @p1 $0x1  }
0x15: {  	[smem:$0x3FB9] =	sst s0;
	s0 =	simm.s32 @!p2 $0x0  }
0x16: {  	s3 =	sld [smem:$0x3FDB];
	s0 =	simm.s32 @p2 $0x1  }
0x17: {  	s4 =	simm.s32 $0x1BF5;
	[smem:$0x3FBB] =	sst s0  }
0x18: {  	s0 =	sld [smem:$0x3F9E];
	_ =	swait.ge [sflag:s4], $0x0  }
0x19: {  	s7 =	sld [smem:$0x3F9F]  }
0x1a: {  	s8 =	sadd.s32 $0xFFFFE003, lr  }
0x1b: {  	s9 =	sadd.s32 $0xFFFFFEF7, lr;
	s5 =	simm.s32 $0xFFFFFFFF;
	p2 =	slt.u32 s8, $0xFFFFF086  }
0x1c: {  	p1 =	slt.u32 s9, $0xF7A;
	s5 =	simm.s32 @!p2 $0x0  }
0x1d: {  	s5 =	simm.s32 @p1 $0x1;
	p0 =	seq.s32 s7, s2  }
0x1e: {  	s7 =	smul.u32 @!p0 $0xF7A, s2;
	p2 =	seq.s32 @!p0 s5, $0x0  }
0x1f: {  	s9 =	smul.u32 $0xF7A, s1;
	s8 =	simm.s32 @!p0 $0x1BF5;
	p2 =	por !p2, p0  }
0x20: {  	[sflag:s8] =	ssyncset.s32 @!p0 $0xFFFFF086;
	s6 =	sadd.s32 @!p0 s3, s7;
	s7 =	simm.s32 @!p0 $0x108  }
0x21: {  	s3 =	sadd.s32 s3, s9;
	s6 =	sadd.s32 @!p0 $0x88, s6;
	s7 =	simm.s32 @p2 $0x1082  }
0x22: {  	[simem:s7], [sflag:s8] =	dma.local @!p0 [hbm:s6], $0xF7A  }
0x23: {  	s9 =	sor.u32 $0xD0000000, s2;
	s6 =	simm.s32 $0x108;
	_ =	swait.ge @!p0 [sflag:s8], $0x0  }
0x24: {  	s3 =	sadd.s32 $0x88, s3;
	s6 =	simm.s32 @!p1 $0x1082;
	[sflag:s4] =	ssyncset.s32 $0xFFFFF086  }
0x25: {  	[simem:s6], [sflag:s4] =	dma.local [hbm:s3], $0xF7A  }
0x26: {  	[smem:$0x3F9F] =	sst s1;
	(tag) =	ssettag s2;
	_ =	strace s9  }
0x27: {  	s1 =	sld [smem:$0x3FAF]  }
0x28: {  	s2 =	sld [smem:$0x3FB0]  }
0x29: {  	s4 =	sld [smem:$0x3FB2]  }
0x2a: {  	p0 =	seq.s32 s5, $0x0;
	s5 =	sld [smem:$0x3FB3]  }
0x2b: {  	s6 =	sld [smem:$0x3FB4]  }
0x2c: {  	s7 =	sld [smem:$0x3FB5]  }
0x2d: {  	s3 =	simm.s32 $0x108;
	s8 =	sld [smem:$0x3FB6]  }
0x2e: {  	s3 =	simm.s32 @!p0 $0x1082;
	s9 =	sld [smem:$0x3FB7]  }
0x2f: {  	lr =	sadd.s32 s0, s3;
	s0 =	sld [smem:$0x3FAE]  }
0x30: {  	s3 =	sld [smem:$0x3FB1]  }
0x31: {  	[smem:$0x3FBA] =	sst s10  }
0x32: {  	s10 =	sld [smem:$0x3FB8];
	_ =	sdelay $0x3  }
0x33: {  	p0 =	seq.s32 s10, $0x1;
	s10 =	sld [smem:$0x3FBA];
	_ =	sdelay $0x3  }
0x34: {  	[smem:$0x3FBA] =	sst s10  }
0x35: {  	s10 =	sld [smem:$0x3FB9];
	_ =	sdelay $0x3  }
0x36: {  	p1 =	seq.s32 s10, $0x1;
	s10 =	sld [smem:$0x3FBA];
	_ =	sdelay $0x3  }
0x37: {  	[smem:$0x3FBA] =	sst s10  }
0x38: {  	s10 =	sld [smem:$0x3FBB]  }
0x39: {  	_ = 	snop;
	(pc) =	sbr.ind lr, $3  }
0x3a: {  	_ = 	snop  }
0x3b: {  	_ = 	snop  }
0x3c: {  	p2 =	seq.s32 s10, $0x1;
	s10 =	sld [smem:$0x3FBA]  }
0x3d: {  	_ =	shalt  }
0x3e: {  	_ =	shalt  }
0x3f: {  	_ =	shalt  }
0x40: {  	_ =	shalt  }
0x41: {  	_ =	shalt  }
0x42: {  	_ =	shalt  }
0x43: {  	_ =	shalt  }
0x44: {  	_ =	shalt  }
0x45: {  	_ =	shalt  }
0x46: {  	_ =	shalt  }
0x47: {  	_ =	shalt  }
0x48: {  	_ =	shalt  }
0x49: {  	_ =	shalt  }
0x4a: {  	_ =	shalt  }
0x4b: {  	_ =	shalt  }
0x4c: {  	_ =	shalt  }
0x4d: {  	_ =	shalt  }
0x4e: {  	_ =	shalt  }
0x4f: {  	_ =	shalt  }
0x50: {  	_ =	shalt  }
0x51: {  	_ =	shalt  }
0x52: {  	_ =	shalt  }
0x53: {  	_ =	shalt  }
0x54: {  	_ =	shalt  }
0x55: {  	_ =	shalt  }
0x56: {  	_ =	shalt  }
0x57: {  	_ =	shalt  }
0x58: {  	_ =	shalt  }
0x59: {  	_ =	shalt  }
0x5a: {  	_ =	shalt  }
0x5b: {  	_ =	shalt  }
0x5c: {  	_ =	shalt  }
0x5d: {  	_ =	shalt  }
0x5e: {  	_ =	shalt  }
0x5f: {  	_ =	shalt  }
0x60: {  	_ =	shalt  }
0x61: {  	_ =	shalt  }
0x62: {  	_ =	shalt  }
0x63: {  	_ =	shalt  }
0x64: {  	_ =	shalt  }
0x65: {  	_ =	shalt  }
0x66: {  	_ =	shalt  }
0x67: {  	_ =	shalt  }
0x68: {  	_ =	shalt  }
0x69: {  	_ =	shalt  }
0x6a: {  	_ =	shalt  }
0x6b: {  	_ =	shalt  }
0x6c: {  	_ =	shalt  }
0x6d: {  	_ =	shalt  }
0x6e: {  	_ =	shalt  }
0x6f: {  	_ =	shalt  }
0x70: {  	_ =	shalt  }
0x71: {  	_ =	shalt  }
0x72: {  	_ =	shalt  }
0x73: {  	_ =	shalt  }
0x74: {  	_ =	shalt  }
0x75: {  	_ =	shalt  }
0x76: {  	_ =	shalt  }
0x77: {  	_ =	shalt  }
0x78: {  	_ =	shalt  }
0x79: {  	_ =	shalt  }
0x7a: {  	_ =	shalt  }
0x7b: {  	_ =	shalt  }
0x7c: {  	_ =	shalt  }
0x7d: {  	_ =	shalt  }
0x7e: {  	_ =	shalt  }
0x7f: {  	_ =	shalt  }
0x80: {  	_ =	shalt  }
0x81: {  	_ =	shalt  }
0x82: {  	_ =	shalt  }
0x83: {  	_ =	shalt  }
0x84: {  	_ =	shalt  }
0x85: {  	_ =	shalt  }
0x86: {  	_ =	shalt  }
0x87: {  	_ =	shalt  }
.Lfunc_end0:
.L_simem_size_0:
called_computation_lowered:
.L_overlay_start_0:
0x88: {  	s2 =	sld [smem:$0x3FD9]  }
0x89: {  	s3 =	sld [smem:$0x3FFE];
	_ =	sdelay $0x1  }
0x8a: {  	s1 =	srdreg.scid  }
0x8b: {  	s0 =	sand.u32 $0x1, s1  }
0x8c: {  	s17 =	sshll.u32 s0, $0xA;
	s2 =	sadd.s32 s3, s2  }
0x8d: {  	s2 =	sadd.s32 s2, s17  }
0x8e: {  	[smem:$0x3FC6] =	sst s2  }
0x8f: {  	_ = 	snop  }
0x90: {  	s2 =	sld [smem:$0x3FC9]  }
0x91: {  	s18 =	sld [smem:$0x3FD0];
	(tm) =	ssettm $0x1  }
0x92: {  	s4 =	sld [smem:$0x3FFB];
	_ =	sdelay $0x3  }
0x93: {  	_ =	strace s4  }
0x94: {  	s4 =	sld [smem:$0x3FFC];
	_ =	sdelay $0x3  }
0x95: {  	_ =	strace s4  }
0x96: {  	s4 =	sld [smem:$0x3FFD];
	_ =	sdelay $0x3  }
0x97: {  	_ =	strace s4  }
0x98: {  	_ =	strace $0x8FFFFFFF  }
0x99: {  	s19 =	sld [smem:$0x3FDB];
	_ =	sdelay $0x1  }
0x9a: {  	s5 =	simm.s32 $_scs_section_size  }
0x9b: {  	s6 =	simm.s32 $_size__tile_overlayer_lowered;
	s7 =	simm.s32 $_tile_overlayer_lowered  }
0x9c: {  	s22 =	simm.s32 $0x1BFF;
	s21 =	sshll.u32 s7, $0x1;
	s4 =	sadd.s32 s5, s19  }
0x9d: {  	s8 =	simm.s32 $0x0;
	s20 =	sshll.u32 s6, $0x1;
	s6 =	sadd.s32 s21, s4  }
0x9e: {  	[timem:s8], [sflag:s22] =	dma.local [hbm:s6], s20  }
0x9f: {  	_ =	swait.ge [sflag:s22], s20  }
0xa0: {  	s5 =	ssub.s32 $0x0, s20;
	[sflag:s22] =	ssyncset.done $0x0  }
0xa1: {  	[sflag:s22] =	ssyncadd.s32 s5;
	_ =	sdelay $0x1  }
0xa2: {  	s23 =	simm.s32 $0x1B8B  }
0xa3: {  	_ =	swait.ge [sflag:s23], $0x1  }
0xa4: {  	[sflag:s23] =	ssyncset.done $0x0  }
0xa5: {  	s25 =	simm.s32 $0x1B8E;
	s24 =	sld [smem:$0x3FFE];
	[sflag:s23] =	ssyncadd.s32 $0xFFFFFFFF  }
0xa6: {  	s26 =	simm.s32 $execute0_lowered;
	[smem:$0x3FD2] =	sst s25  }
0xa7: {  	s6 =	sshll.u32 s26, $0x1;
	_ =	strace $0x80000046;
	[dreg:$0x1] =	wrdreg $0xFFFFFFFF  }
0xa8: {  	s28 =	simm.s32 $_size_execute0_lowered;
	s4 =	sadd.s32 s4, s6;
	[dreg:$0x0] =	wrdreg $0x0  }
0xa9: {  	s6 =	sshll.u32 s28, $0x1;
	[dreg:$0x2] =	wrdreg s4  }
0xaa: {  	[dreg:$0x3] =	wrdreg s6  }
0xab: {  	[dreg:$0x4] =	wrdreg $0xC0  }
0xac: {  	_ =	task [dreg:s8], $0x5FFFF  }
0xad: {  	[dreg:$0x1] =	wrdreg $0xFFFFFFFF  }
0xae: {  	[dreg:$0x0] =	wrdreg $0x60  }
0xaf: {  	[dreg:$0x2] =	wrdreg s2  }
0xb0: {  	[dreg:$0x3] =	wrdreg s24  }
0xb1: {  	[dreg:$0x4] =	wrdreg s18  }
0xb2: {  	[dreg:$0x5] =	wrdreg $0x9  }
0xb3: {  	_ =	task.clear_ibuf [dreg:s8], $0x6FFFF;
	_ =	strace $0x90000046  }
0xb4: {  	s29 =	simm.s32 $0x9;
	_ =	strace $0x80000048  }
0xb5: {  	_ =	swait.ge [sflag:s29], $0x1  }
0xb6: {  	[sflag:s29] =	ssyncadd.s32 $0xFFFFFFFF  }
0xb7: {  	_ =	strace $0x90000048  }
0xb8: {  	_ =	sfence  }
0xb9: {  	s30 =	sld [smem:$0x0];
	_ =	sdelay $0x2  }
0xba: {  	s31 =	sshll.u32 s1, $0xD;
	s1 =	sshrl.u32 s1, $0x2  }
0xbb: {  	s3 =	sand.u32 $0x4000, s31;
	s1 =	sadd.s32 s1, s30  }
0xbc: {  	s0 =	sor.u32 s3, s0;
	s1 =	sshll.u32 s1, $0x11  }
0xbd: {  	s0 =	sor.u32 s1, s0  }
0xbe: {  	s0 =	sadd.s32 $0x8F2B, s0  }
0xbf: {  	[sflag:s0] =	ssyncadd.remote.s32 $0x1  }
0xc0: {  	_ =	sfence.sel $0xFFFF  }
0xc1: {  	[dreg:$0x0] =	wrdreg $0xFFFFFFFF;
	(pc) =	sbr.abs _section_cstart, $3  }
0xc2: {  	[dreg:$0x1] =	wrdreg $0xFFFFFFFF  }
0xc3: {  	_ =	task.clear_ibuf [dreg:s8], $0x2FFFF;
	_ =	strace $0x9FFFFFFF  }
0xc4: {  	(tm) =	ssettm $0x7FFFFFFF  }
0xc5: {  	_ =	shalt  }
tec
execute0_lowered:
.L_overlay_start_1:
0x0: {  	(tag) =	ssettag $0x1  }
0x1: {  	s0 =	rddreg [dreg:$0x0]  }
0x2: {  	s1 =	srdreg.scid;
	s3 =	rddreg [dreg:$0x1]  }
0x3: {  	s4 =	stileid.u32;
	s2 =	rddreg [dreg:$0x2];
	s6 =	simm.s32 $0x0  }
0x4: {  	s9 =	simm.s32 $0x400;
	s10 =	simm.s32 $0x8000;
	s12 =	simm.s32 $0x3  }
0x5: {  	s13 =	simm.s32 $0x80;
	s18 =	simm.s32 $0x1;
	s19 =	simm.s32 $0x15400  }
0x6: {  	v0 =	vlaneseq.u32;
	s20 =	simm.s32 $0x2;
	s21 =	simm.s32 $0x16400;
	s1 =	sand.u32 $0x1, s1  }
0x7: {  	s22 =	simm.s32 $0x0;
	s4 =	sshll.u32 s4, $0xB;
	v0 =	vmul.u32 $0x80, v0;
	s5 =	sshll.u32 s1, $0xA  }
0x8: {  	s23 =	simm.s32 $0x0;
	s1 =	ssub.s32 $0x2, s1;
	s4 =	sor.u32 s5, s4  }
0x9: {  	[smem:$0x7FF] =	sst s6;
	s7 =	sshrl.u32 s1, $0x1;
	v1 =	vor.u32 $0x800, v0;
	s5 =	sshrl.u32 s4, $0x3  }
0xa: {  	s6 =	sadd.s32 $0x400, s3;
	v2 =	vor.u32 $0x1000, v0;
	v3 =	vor.u32 $0x1800, v0;
	v4 =	vor.u32 $0x2000, v0;
	s31 =	ssub.s32 s1, s7;
	s5 =	sadd.s32 s0, s5  }
0xb: {  	_ =	strace $0x80000047;
	v5 =	vor.u32 $0x2800, v0;
	v6 =	vor.u32 $0x3000, v0;
	v7 =	vor.u32 $0x3800, v0;
	s8 =	smax.u32 s31, $0x1;
	s7 =	sadd.s32 $0x6000, s5  }
.LBB2_1:
0xc: {  	s0 =	simm.s32 $0x0  }
0xd: {  	[tilespmem:s0], [sflag:$0x3] =	stream.strided.gather [hbm4b:s5+s9], $0x1800, s10, s9, $0x38;
	[tilespmem:$0x17400] =	vst v63  }
0xe: {  	s1 =	simm.s32 $0x1800  }
0xf: {  	[tilespmem:s1], [sflag:$0x3] =	stream.linear.gather [hbm4b:s7+s0], $0x100, $0x38;
	[tilespmem:$0x17400] =	vst v63  }
0x10: {  	_ =	swait.ge [sflag:s12], $0x1900  }
0x11: {  	[sflag:s12] =	ssyncset.done $0x0  }
0x12: {  	s1 =	simm.s32 $0x0;
	[sflag:s12] =	ssyncadd.s32 $0xFFFFE700  }
0x13: {  	v8 =	vld [tilespmem:s1+$0x70]  }
0x14: {  	v9 =	vld [tilespmem:s1+$0x0]  }
0x15: {  	v10 =	vld [tilespmem:s1+$0x10]  }
0x16: {  	v11 =	vld [tilespmem:s1+$0x20]  }
0x17: {  	v12 =	vld [tilespmem:s1+$0x30]  }
0x18: {  	v13 =	vld [tilespmem:s1+$0x40]  }
0x19: {  	v17 =	vld [tilespmem:s1+$0x50]  }
0x1a: {  	v19 =	vld [tilespmem:s1+$0x60]  }
0x1b: {  	v14 =	vshrl.u32 v8, $0x2;
	v15 =	vshrl.u32 v8, $0x8  }
0x1c: {  	v16 =	vshrl.u32 v9, $0x2;
	v8 =	vand.u32 $0x1FFF, v8;
	v18 =	vshrl.u32 v10, $0x2  }
0x1d: {  	v20 =	vshrl.u32 v11, $0x2;
	v21 =	vshrl.u32 v12, $0x2;
	v22 =	vand.u32 $0x1FFF, v10  }
0x1e: {  	v23 =	vshrl.u32 v13, $0x2;
	v10 =	vshrl.u32 v10, $0x8;
	v24 =	vshrl.u32 v17, $0x2  }
0x1f: {  	v25 =	vand.u32 $0x1FFF, v11;
	v26 =	vshrl.u32 v19, $0x2;
	v11 =	vshrl.u32 v11, $0x8  }
0x20: {  	v27 =	vand.u32 $0x1FFF, v12;
	v12 =	vshrl.u32 v12, $0x8;
	v28 =	vand.u32 $0x1FFF, v13  }
0x21: {  	v13 =	vshrl.u32 v13, $0x8;
	v29 =	vand.u32 $0x1FFF, v17;
	v17 =	vshrl.u32 v17, $0x8  }
0x22: {  	s0 =	simm.s32 $0x80;
	v30 =	vand.u32 $0x1FFF, v19;
	v14 =	vand.u32 $0x3FFFE000, v14;
	v16 =	vand.u32 $0x3FFFE000, v16  }
0x23: {  	v31 =	vld [tilespmem:s0+$0x70];
	v18 =	vand.u32 $0x3FFFE000, v18;
	v20 =	vand.u32 $0x3FFFE000, v20;
	v21 =	vand.u32 $0x3FFFE000, v21  }
0x24: {  	v23 =	vand.u32 $0x3FFFE000, v23;
	v8 =	vor.u32 v8, v14;
	v14 =	vand.u32 $0x1FFF, v9  }
0x25: {  	v24 =	vand.u32 $0x3FFFE000, v24;
	v26 =	vand.u32 $0x3FFFE000, v26;
	[tilespmem:s1+$0x1C70] =	vst v8;
	v8 =	vor.u32 v14, v16  }
0x26: {  	v33 =	vld [tilespmem:s0+$0x50];
	v9 =	vshrl.u32 v9, $0x8;
	v14 =	vor.u32 v22, v18;
	v16 =	vshrl.u32 v19, $0x8;
	[tilespmem:s1+$0x1C00] =	vst v8  }
0x27: {  	v22 =	vld [tilespmem:s0+$0x0];
	v18 =	vor.u32 v27, v21;
	v19 =	vor.u32 v28, v23;
	v23 =	vand.u32 $0x60, v10;
	[tilespmem:s1+$0x1C10] =	vst v14  }
0x28: {  	v21 =	vld [tilespmem:s0+$0x10];
	v27 =	vand.u32 $0x60, v12;
	v10 =	vshrl.u32 v31, $0x2;
	v8 =	vor.u32 v25, v20;
	[tilespmem:s1+$0x1C30] =	vst v18  }
0x29: {  	v28 =	vld [tilespmem:s0+$0x30];
	v20 =	vand.u32 $0x60, v9;
	v9 =	vor.u32 v29, v24;
	v14 =	vor.u32 v30, v26;
	[tilespmem:s1+$0x1C40] =	vst v19  }
0x2a: {  	v26 =	vand.u32 $0x60, v11;
	v29 =	vand.u32 $0x60, v13;
	v32 =	vand.u32 $0x60, v16;
	v16 =	vld [tilespmem:s0+$0x40];
	[tilespmem:s1+$0x3830] =	vst v27  }
0x2b: {  	v24 =	vld [tilespmem:s0+$0x20];
	v11 =	vand.u32 $0x60, v15;
	v10 =	vand.u32 $0x3FFFE000, v10;
	v15 =	vand.u32 $0x1FFF, v31;
	[tilespmem:s1+$0x1C20] =	vst v8  }
0x2c: {  	v30 =	vand.u32 $0x60, v17;
	v8 =	vshrl.u32 v31, $0x8;
	[tilespmem:s1+$0x1C50] =	vst v9;
	v9 =	vld [tilespmem:s0+$0x60];
	v10 =	vor.u32 v15, v10  }
0x2d: {  	[tilespmem:s1+$0x3850] =	vst v30;
	v30 =	vand.u32 $0x1FFF, v33;
	v12 =	vshrl.u32 v22, $0x2;
	v19 =	vand.u32 $0x1FFF, v22  }
0x2e: {  	[tilespmem:s0+$0x1C70] =	vst v10;
	v10 =	vshrl.u32 v22, $0x8;
	v25 =	vand.u32 $0x1FFF, v21;
	v27 =	vand.u32 $0x1FFF, v28  }
0x2f: {  	[tilespmem:s1+$0x1C60] =	vst v14;
	v13 =	vand.u32 $0x3FFFE000, v12;
	v12 =	vshrl.u32 v21, $0x2;
	v14 =	vshrl.u32 v16, $0x2  }
0x30: {  	[tilespmem:s1+$0x3820] =	vst v26;
	v26 =	vand.u32 $0x1FFF, v24;
	v18 =	vand.u32 $0x3FFFE000, v12;
	v12 =	vshrl.u32 v24, $0x2  }
0x31: {  	v22 =	vand.u32 $0x3FFFE000, v14;
	v14 =	vshrl.u32 v33, $0x2;
	v17 =	vshrl.u32 v9, $0x2  }
0x32: {  	[tilespmem:s1+$0x3840] =	vst v29;
	v29 =	vand.u32 $0x1FFF, v9;
	v15 =	vand.u32 $0x3FFFE000, v12;
	v12 =	vshrl.u32 v28, $0x2  }
0x33: {  	[tilespmem:s1+$0x3810] =	vst v23;
	v23 =	vand.u32 $0x3FFFE000, v14;
	v14 =	vshrl.u32 v24, $0x8;
	v24 =	vand.u32 $0x3FFFE000, v17  }
0x34: {  	[tilespmem:s1+$0x3800] =	vst v20;
	v17 =	vshrl.u32 v28, $0x8;
	v28 =	vand.u32 $0x1FFF, v16;
	v16 =	vshrl.u32 v16, $0x8  }
0x35: {  	s3 =	simm.s32 $0x100;
	s11 =	simm.s32 $0x600;
	[tilespmem:s1+$0x3860] =	vst v32;
	v20 =	vand.u32 $0x3FFFE000, v12;
	v12 =	vshrl.u32 v21, $0x8;
	v21 =	vshrl.u32 v33, $0x8  }
.LBB2_2:
0x36: {  	p0 =	sne.s32 s11, $0x6200;
	v31 =	vld [tilespmem:s3+$0x70];
	v13 =	vor.u32 v19, v13;
	v18 =	vor.u32 v25, v18;
	v9 =	vshrl.u32 v9, $0x8;
	[tilespmem:s1+$0x3870] =	vst v11;
	s1 =	smov.u32 s0;
	s0 =	smov.u32 s3  }
0x37: {  	v11 =	vor.u32 v26, v15;
	v15 =	vor.u32 v28, v22;
	v25 =	vld [tilespmem:s0+$0x0];
	[tilespmem:s1+$0x1C00] =	vst v13;
	v13 =	vor.u32 v27, v20  }
0x38: {  	v20 =	vand.u32 $0x60, v10;
	v10 =	vor.u32 v30, v23;
	v22 =	vld [tilespmem:s0+$0x10];
	[tilespmem:s1+$0x1C10] =	vst v18;
	v18 =	vor.u32 v29, v24  }
0x39: {  	v12 =	vand.u32 $0x60, v12;
	v14 =	vand.u32 $0x60, v14;
	v17 =	vand.u32 $0x60, v17;
	v24 =	vld [tilespmem:s0+$0x20];
	[tilespmem:s1+$0x1C20] =	vst v11  }
0x3a: {  	v16 =	vand.u32 $0x60, v16;
	v21 =	vand.u32 $0x60, v21;
	v32 =	vand.u32 $0x60, v9;
	v28 =	vld [tilespmem:s0+$0x30];
	[tilespmem:s1+$0x1C30] =	vst v13  }
0x3b: {  	v11 =	vand.u32 $0x60, v8;
	v29 =	vld [tilespmem:s0+$0x40];
	v9 =	vshrl.u32 v31, $0x2;
	[tilespmem:s1+$0x1C40] =	vst v15;
	v8 =	vshrl.u32 v31, $0x8  }
0x3c: {  	v19 =	vand.u32 $0x1FFF, v31;
	v13 =	vshrl.u32 v25, $0x2;
	v33 =	vld [tilespmem:s0+$0x50];
	v15 =	vand.u32 $0x3FFFE000, v9;
	[tilespmem:s1+$0x1C50] =	vst v10  }
0x3d: {  	v13 =	vand.u32 $0x3FFFE000, v13;
	v10 =	vshrl.u32 v22, $0x2;
	v9 =	vld [tilespmem:s0+$0x60];
	v15 =	vor.u32 v19, v15;
	[tilespmem:s1+$0x1C60] =	vst v18  }
0x3e: {  	v19 =	vand.u32 $0x1FFF, v25;
	v18 =	vand.u32 $0x3FFFE000, v10;
	v23 =	vshrl.u32 v24, $0x2;
	[tilespmem:s0+$0x1C70] =	vst v15  }
0x3f: {  	v10 =	vshrl.u32 v25, $0x8;
	v15 =	vand.u32 $0x3FFFE000, v23;
	v23 =	vshrl.u32 v28, $0x2;
	[tilespmem:s1+$0x3800] =	vst v20  }
0x40: {  	v25 =	vand.u32 $0x1FFF, v22;
	v20 =	vand.u32 $0x3FFFE000, v23;
	v23 =	vshrl.u32 v29, $0x2;
	[tilespmem:s1+$0x3810] =	vst v12  }
.Ltmp0:
0x41: {  	v12 =	vshrl.u32 v22, $0x8;
	v22 =	vand.u32 $0x3FFFE000, v23;
	v23 =	vshrl.u32 v33, $0x2;
	[tilespmem:s1+$0x3820] =	vst v14;
	(pc) =	sbr.rel @p0 .LBB2_2-.Ltmp0, $4  }
0x42: {  	v26 =	vand.u32 $0x1FFF, v24;
	v23 =	vand.u32 $0x3FFFE000, v23;
	v30 =	vshrl.u32 v9, $0x2;
	[tilespmem:s1+$0x3830] =	vst v17  }
0x43: {  	v27 =	vand.u32 $0x1FFF, v28;
	v14 =	vshrl.u32 v24, $0x8;
	v24 =	vand.u32 $0x3FFFE000, v30;
	[tilespmem:s1+$0x3840] =	vst v16  }
0x44: {  	v17 =	vshrl.u32 v28, $0x8;
	v28 =	vand.u32 $0x1FFF, v29;
	v16 =	vshrl.u32 v29, $0x8;
	[tilespmem:s1+$0x3850] =	vst v21  }
0x45: {  	s3 =	sshra.s32 s11, $0x2;
	s11 =	sadd.s32 $0x200, s11;
	v30 =	vand.u32 $0x1FFF, v33;
	v29 =	vand.u32 $0x1FFF, v9;
	v21 =	vshrl.u32 v33, $0x8;
	[tilespmem:s1+$0x3860] =	vst v32  }
0x46: {  	v13 =	vor.u32 v19, v13;
	[tilespmem:s1+$0x3870] =	vst v11  }
0x47: {  	v56 =	vor.u32 v25, v18;
	[tilespmem:s0+$0x1C00] =	vst v13  }
0x48: {  	v57 =	vor.u32 v26, v15;
	[tilespmem:s0+$0x1C10] =	vst v56  }
0x49: {  	v59 =	vor.u32 v27, v20;
	[tilespmem:s0+$0x1C20] =	vst v57  }
0x4a: {  	v61 =	vor.u32 v28, v22;
	[tilespmem:s0+$0x1C30] =	vst v59  }
0x4b: {  	v31 =	vld [tilespmem:s3+$0x70];
	v63 =	vor.u32 v30, v23;
	[tilespmem:s0+$0x1C40] =	vst v61  }
0x4c: {  	v18 =	vld [tilespmem:s3+$0x0];
	v32 =	vor.u32 v29, v24;
	[tilespmem:s0+$0x1C50] =	vst v63  }
0x4d: {  	v58 =	vld [tilespmem:s3+$0x10];
	v10 =	vand.u32 $0x60, v10;
	[tilespmem:s0+$0x1C60] =	vst v32  }
0x4e: {  	v60 =	vld [tilespmem:s3+$0x20];
	v12 =	vand.u32 $0x60, v12;
	[tilespmem:s0+$0x3800] =	vst v10  }
0x4f: {  	v62 =	vld [tilespmem:s3+$0x30];
	v36 =	vand.u32 $0x60, v14;
	[tilespmem:s0+$0x3810] =	vst v12  }
0x50: {  	v28 =	vld [tilespmem:s3+$0x40];
	v9 =	vshrl.u32 v9, $0x8;
	v37 =	vand.u32 $0x60, v17;
	v38 =	vand.u32 $0x60, v16;
	[tilespmem:s0+$0x3820] =	vst v36  }
0x51: {  	v39 =	vand.u32 $0x60, v21;
	v8 =	vand.u32 $0x60, v8;
	v9 =	vand.u32 $0x60, v9;
	[tilespmem:s0+$0x3830] =	vst v37  }
0x52: {  	[tilespmem:s0+$0x3840] =	vst v38;
	v30 =	vshrl.u32 v31, $0x2;
	v34 =	vand.u32 $0x1FFF, v31;
	v40 =	vshrl.u32 v18, $0x2  }
0x53: {  	[tilespmem:s0+$0x3850] =	vst v39;
	v42 =	vshrl.u32 v58, $0x2;
	v43 =	vand.u32 $0x1FFF, v18;
	v44 =	vshrl.u32 v60, $0x2  }
0x54: {  	v35 =	vld [tilespmem:s3+$0x60];
	[tilespmem:s0+$0x3870] =	vst v8;
	v46 =	vshrl.u32 v62, $0x2;
	v47 =	vand.u32 $0x1FFF, v58;
	v23 =	vand.u32 $0x3FFFE000, v30  }
0x55: {  	[tilespmem:s0+$0x3860] =	vst v9;
	v49 =	vshrl.u32 v28, $0x2;
	v41 =	vand.u32 $0x3FFFE000, v40;
	v23 =	vor.u32 v34, v23  }
0x56: {  	v33 =	vld [tilespmem:s3+$0x50];
	v50 =	vand.u32 $0x1FFF, v60;
	v14 =	vand.u32 $0x3FFFE000, v42;
	v12 =	vor.u32 v43, v41;
	[tilespmem:s3+$0x1C70] =	vst v23  }
0x57: {  	v52 =	vand.u32 $0x1FFF, v62;
	v45 =	vand.u32 $0x3FFFE000, v44;
	v14 =	vor.u32 v47, v14;
	[tilespmem:s3+$0x1C00] =	vst v12  }
0x58: {  	v53 =	vand.u32 $0x1FFF, v28;
	v48 =	vand.u32 $0x3FFFE000, v46;
	v10 =	vor.u32 v50, v45;
	[tilespmem:s3+$0x1C10] =	vst v14  }
0x59: {  	v54 =	vshrl.u32 v35, $0x2;
	v8 =	vand.u32 $0x3FFFE000, v49;
	v9 =	vor.u32 v52, v48;
	[tilespmem:s3+$0x1C20] =	vst v10  }
0x5a: {  	v57 =	vand.u32 $0x1FFF, v35;
	v56 =	vand.u32 $0x3FFFE000, v54;
	v8 =	vor.u32 v53, v8;
	[tilespmem:s3+$0x1C30] =	vst v9  }
0x5b: {  	v51 =	vshrl.u32 v33, $0x2;
	v58 =	vshrl.u32 v58, $0x8;
	[tilespmem:s3+$0x1C40] =	vst v8;
	v9 =	vor.u32 v57, v56  }
0x5c: {  	v55 =	vand.u32 $0x1FFF, v33;
	v12 =	vand.u32 $0x3FFFE000, v51;
	v10 =	vand.u32 $0x60, v58;
	[tilespmem:s3+$0x1C60] =	vst v9  }
0x5d: {  	v8 =	vshrl.u32 v18, $0x8;
	v12 =	vor.u32 v55, v12;
	[tilespmem:s3+$0x3810] =	vst v10  }
0x5e: {  	v59 =	vshrl.u32 v60, $0x8;
	v8 =	vand.u32 $0x60, v8;
	[tilespmem:s3+$0x1C50] =	vst v12  }
0x5f: {  	v60 =	vshrl.u32 v28, $0x8;
	v9 =	vand.u32 $0x60, v59;
	[tilespmem:s3+$0x3800] =	vst v8  }
0x60: {  	v61 =	vshrl.u32 v33, $0x8;
	v10 =	vand.u32 $0x60, v60;
	[tilespmem:s3+$0x3820] =	vst v9  }
0x61: {  	v8 =	vshrl.u32 v62, $0x8;
	v9 =	vand.u32 $0x60, v61;
	[tilespmem:s3+$0x3840] =	vst v10  }
0x62: {  	v62 =	vshrl.u32 v31, $0x8;
	v8 =	vand.u32 $0x60, v8;
	[tilespmem:s3+$0x3850] =	vst v9  }
0x63: {  	v63 =	vand.u32 $0x60, v62;
	[tilespmem:s3+$0x3830] =	vst v8;
	v8 =	vshrl.u32 v35, $0x8  }
0x64: {  	[tilespmem:s3+$0x3870] =	vst v63;
	v8 =	vand.u32 $0x60, v8  }
0x65: {  	s28 =	simm.s32 $0x1C00;
	s29 =	simm.s32 $0x5400;
	[tilespmem:s3+$0x3860] =	vst v8  }
0x66: {  	[tilespmem:s29], [sflag:$0x1] =	stream.indirect.gather [hbm4b:s6+s13], $0x80, s28, s13, $0xb8;
	[tilespmem:$0x17400] =	vst v63  }
0x67: {  	s30 =	simm.s32 $0x1C80;
	s31 =	simm.s32 $0x9400;
	s24 =	simm.s32 $0x0  }
0x68: {  	[tilespmem:s31], [sflag:$0x1] =	stream.indirect.gather [hbm4b:s6+s13], $0x80, s30, s13, $0xb8;
	[tilespmem:$0x17400] =	vst v63  }
.LBB2_4:
0x69: {  	s25 =	sshll.u32 s24, $0x1;
	p0 =	seq.s32 s24, $0x18  }
0x6a: {  	s0 =	sadd.s32 @!p0 $0x2, s25  }
0x6b: {  	s1 =	sshll.u32 @!p0 s0, $0xE;
	s0 =	sshll.u32 @!p0 s0, $0x7  }
0x6c: {  	s1 =	sand.u32 @!p0 $0x8000, s1;
	s0 =	sand.u32 @!p0 $0x3FFFFF80, s0  }
0x6d: {  	s3 =	simm.s32 @!p0 $0x80;
	s1 =	sor.u32 @!p0 $0x5400, s1;
	s0 =	sadd.s32 @!p0 $0x1C00, s0  }
0x6e: {  	[tilespmem:s1], [sflag:$0x1] =	stream.indirect.gather @!p0 [hbm4b:s6+s3], $0x80, s0, s3, $0xb8;
	[tilespmem:$0x17400] =	vst v63  }
0x6f: {  	_ =	swait.ge [sflag:s18], $0x4000  }
0x70: {  	p0 =	seq.s32 s24, $0x0;
	[sflag:s18] =	ssyncset.done $0x0  }
0x71: {  	s0 =	simm.s32 @!p0 $0x2;
	[sflag:s18] =	ssyncadd.s32 $0xFFFFC000  }
0x72: {  	_ =	swait.ge @!p0 [sflag:s0], $0x1000  }
0x73: {  	s16 =	sshll.u32 s24, $0x8;
	[sflag:s0] =	ssyncset.done @!p0 $0x0  }
0x74: {  	s17 =	sand.u32 $0x3FFFFF00, s16;
	[sflag:s0] =	ssyncadd.s32 @!p0 $0xFFFFF000  }
0x75: {  	v15 =	vld [tilespmem:s17+$0x3800];
	_ =	sdelay $0x3  }
0x76: {  	s14 =	simm.s32 $0x3  }
0x77: {  	s15 =	simm.s32 $0x1;
	v8 =	vadd.s32 s14, v15  }
0x78: {  	s16 =	simm.s32 $0x2;
	v14 =	vld [tilespmem:s17+$0x3810];
	v9 =	vadd.s32 s15, v15;
	v8 =	vadd.s32 v0, v8  }
0x79: {  	v13 =	vld [tilespmem:s17+$0x3820];
	v16 =	vadd.s32 v0, v9;
	v9 =	vadd.s32 s16, v15  }
0x7a: {  	s26 =	sshll.u32 s24, $0xF;
	v12 =	vld [tilespmem:s17+$0x3830];
	v17 =	vadd.s32 v0, v9  }
0x7b: {  	s1 =	sand.u32 $0x8000, s26;
	v11 =	vld [tilespmem:s17+$0x3840];
	v18 =	vadd.s32 s23, v15  }
0x7c: {  	s26 =	sor.u32 $0x5400, s1;
	v10 =	vld [tilespmem:s17+$0x3850];
	v18 =	vadd.s32 v0, v18  }
0x7d: {  	v19 =	vld.idx.msk [tilespmem:v8+s26+$0x0], $0xffff;
	v8 =	vadd.s32 s14, v14  }
0x7e: {  	v20 =	vadd.s32 s15, v14;
	v16 =	vld.idx.msk [tilespmem:v16+s26+$0x0], $0xffff;
	v21 =	vadd.s32 v1, v8  }
0x7f: {  	v22 =	vadd.s32 s16, v14;
	v20 =	vadd.s32 v1, v20;
	v17 =	vld.idx.msk [tilespmem:v17+s26+$0x0], $0xffff  }
0x80: {  	v22 =	vadd.s32 v1, v22;
	v9 =	vld [tilespmem:s17+$0x3860]  }
0x81: {  	s0 =	simm.s32 $0x15500;
	v23 =	vadd.s32 s23, v14;
	v18 =	vld.idx.msk [tilespmem:v18+s26+$0x0], $0xffff  }
0x82: {  	v23 =	vadd.s32 v1, v23;
	v8 =	vld [tilespmem:s17+$0x3870];
	[tilespmem:s0+$0x80] =	vst v19  }
0x83: {  	[tilespmem:s0+$0xFFFFFF80] =	vst v16;
	v19 =	vadd.s32 s14, v13;
	v16 =	vld.idx.msk [tilespmem:v21+s26+$0x0], $0xffff  }
0x84: {  	v20 =	vld.idx.msk [tilespmem:v20+s26+$0x0], $0xffff;
	[tilespmem:s0+$0x0] =	vst v17;
	v17 =	vadd.s32 s15, v13;
	v19 =	vadd.s32 v2, v19  }
0x85: {  	v21 =	vld.idx.msk [tilespmem:v22+s26+$0x0], $0xffff;
	v17 =	vadd.s32 v2, v17;
	v22 =	vadd.s32 s16, v13  }
0x86: {  	[tilespmem:s0+$0xFFFFFF00] =	vst v18;
	v18 =	vadd.s32 v2, v22  }
0x87: {  	v22 =	vld.idx.msk [tilespmem:v23+s26+$0x0], $0xffff;
	v23 =	vadd.s32 s23, v13  }
0x88: {  	v23 =	vadd.s32 v2, v23;
	[tilespmem:s0+$0x90] =	vst v16  }
0x89: {  	[tilespmem:s0+$0xFFFFFF90] =	vst v20;
	v16 =	vld.idx.msk [tilespmem:v19+s26+$0x0], $0xffff;
	v19 =	vadd.s32 s14, v12  }
0x8a: {  	v20 =	vadd.s32 s15, v12;
	v17 =	vld.idx.msk [tilespmem:v17+s26+$0x0], $0xffff;
	[tilespmem:s0+$0x10] =	vst v21;
	v19 =	vadd.s32 v3, v19  }
0x8b: {  	s28 =	simm.s32 $0x4;
	v20 =	vadd.s32 v3, v20;
	v21 =	vadd.s32 s16, v12;
	v18 =	vld.idx.msk [tilespmem:v18+s26+$0x0], $0xffff  }
0x8c: {  	v24 =	vadd.s32 s28, v15;
	[tilespmem:s0+$0xFFFFFF10] =	vst v22;
	v21 =	vadd.s32 v3, v21  }
0x8d: {  	s30 =	simm.s32 $0x5;
	v22 =	vadd.s32 v0, v24;
	v24 =	vadd.s32 s23, v12;
	v23 =	vld.idx.msk [tilespmem:v23+s26+$0x0], $0xffff  }
0x8e: {  	v25 =	vadd.s32 s30, v15;
	v24 =	vadd.s32 v3, v24;
	[tilespmem:s0+$0xA0] =	vst v16  }
0x8f: {  	v16 =	vadd.s32 v0, v25;
	[tilespmem:s0+$0xFFFFFFA0] =	vst v17;
	v17 =	vld.idx.msk [tilespmem:v19+s26+$0x0], $0xffff;
	v19 =	vadd.s32 s14, v11  }
0x90: {  	v20 =	vld.idx.msk [tilespmem:v20+s26+$0x0], $0xffff;
	[tilespmem:s0+$0x20] =	vst v18;
	v18 =	vadd.s32 s15, v11;
	v19 =	vadd.s32 v4, v19  }
0x91: {  	s11 =	simm.s32 $0x7;
	v25 =	vadd.s32 s16, v11;
	v21 =	vld.idx.msk [tilespmem:v21+s26+$0x0], $0xffff;
	v18 =	vadd.s32 v4, v18  }
0x92: {  	v22 =	vld.idx.msk [tilespmem:v22+s26+$0x0], $0xffff;
	[tilespmem:s0+$0xFFFFFF20] =	vst v23;
	v23 =	vadd.s32 v4, v25;
	v25 =	vadd.s32 s11, v15  }
0x93: {  	s31 =	simm.s32 $0x6;
	v26 =	vadd.s32 s23, v11;
	v24 =	vld.idx.msk [tilespmem:v24+s26+$0x0], $0xffff;
	v25 =	vadd.s32 v0, v25  }
0x94: {  	v27 =	vld.idx.msk [tilespmem:v16+s26+$0x0], $0xffff;
	v16 =	vadd.s32 s31, v15;
	[tilespmem:s0+$0xB0] =	vst v17;
	v17 =	vadd.s32 v4, v26  }
0x95: {  	[tilespmem:s0+$0xFFFFFFB0] =	vst v20;
	v16 =	vadd.s32 v0, v16;
	v20 =	vadd.s32 s14, v10;
	v19 =	vld.idx.msk [tilespmem:v19+s26+$0x0], $0xffff  }
0x96: {  	v18 =	vld.idx.msk [tilespmem:v18+s26+$0x0], $0xffff;
	[tilespmem:s0+$0x30] =	vst v21;
	v21 =	vadd.s32 s15, v10;
	v20 =	vadd.s32 v5, v20  }
0x97: {  	s29 =	simm.s32 $0x8;
	v26 =	vadd.s32 s16, v10;
	v23 =	vld.idx.msk [tilespmem:v23+s26+$0x0], $0xffff;
	v21 =	vadd.s32 v5, v21  }
0x98: {  	v26 =	vadd.s32 v5, v26;
	[tilespmem:s0+$0xFFFFFF30] =	vst v24;
	v24 =	vadd.s32 s29, v15;
	v25 =	vld.idx.msk [tilespmem:v25+s26+$0x0], $0xffff  }
0x99: {  	v28 =	vadd.s32 s11, v14;
	v24 =	vadd.s32 v0, v24;
	v17 =	vld.idx.msk [tilespmem:v17+s26+$0x0], $0xffff  }
0x9a: {  	v29 =	vadd.s32 s30, v14;
	v28 =	vadd.s32 v1, v28;
	v30 =	vld.idx.msk [tilespmem:v16+s26+$0x0], $0xffff;
	[tilespmem:s0+$0xC0] =	vst v19  }
0x9b: {  	v16 =	vadd.s32 s31, v14;
	v19 =	vadd.s32 v1, v29;
	[tilespmem:s0+$0xFFFFFFC0] =	vst v18;
	v18 =	vld.idx.msk [tilespmem:v20+s26+$0x0], $0xffff  }
0x9c: {  	s1 =	simm.s32 $0x15700;
	v20 =	vadd.s32 v1, v16;
	v21 =	vld.idx.msk [tilespmem:v21+s26+$0x0], $0xffff;
	[tilespmem:s0+$0x40] =	vst v23;
	v16 =	vadd.s32 s14, v9  }
0x9d: {  	[tilespmem:s1+$0xFFFFFF80] =	vst v27;
	v23 =	vadd.s32 s28, v14;
	v26 =	vld.idx.msk [tilespmem:v26+s26+$0x0], $0xffff;
	v29 =	vadd.s32 v6, v16  }
0x9e: {  	v27 =	vadd.s32 s15, v9;
	[tilespmem:s1+$0x80] =	vst v25;
	v16 =	vld.idx.msk [tilespmem:v24+s26+$0x0], $0xffff;
	v23 =	vadd.s32 v1, v23  }
0x9f: {  	[tilespmem:s1+$0xFFFFFF00] =	vst v22;
	v27 =	vadd.s32 v6, v27;
	v24 =	vadd.s32 s23, v10;
	v25 =	vld.idx.msk [tilespmem:v28+s26+$0x0], $0xffff  }
0xa0: {  	v28 =	vadd.s32 s11, v13;
	v24 =	vadd.s32 v5, v24;
	[tilespmem:s1+$0x0] =	vst v30;
	v19 =	vld.idx.msk [tilespmem:v19+s26+$0x0], $0xffff  }
0xa1: {  	v28 =	vadd.s32 v2, v28;
	v30 =	vadd.s32 s30, v13;
	v20 =	vld.idx.msk [tilespmem:v20+s26+$0x0], $0xffff;
	[tilespmem:s0+$0xD0] =	vst v18  }
0xa2: {  	v22 =	vadd.s32 s31, v13;
	[tilespmem:s0+$0xFFFFFF40] =	vst v17;
	v18 =	vadd.s32 v2, v30;
	v29 =	vld.idx.msk [tilespmem:v29+s26+$0x0], $0xffff  }
0xa3: {  	v22 =	vadd.s32 v2, v22;
	v17 =	vadd.s32 s14, v8;
	v30 =	vadd.s32 s28, v13;
	[tilespmem:s0+$0xFFFFFFD0] =	vst v21;
	v23 =	vld.idx.msk [tilespmem:v23+s26+$0x0], $0xffff  }
0xa4: {  	v17 =	vadd.s32 v7, v17;
	v21 =	vadd.s32 v2, v30;
	v30 =	vld.idx.msk [tilespmem:v27+s26+$0x0], $0xffff  }
0xa5: {  	[tilespmem:s1+$0x90] =	vst v25;
	v25 =	vadd.s32 s16, v9;
	v24 =	vld.idx.msk [tilespmem:v24+s26+$0x0], $0xffff  }
0xa6: {  	v27 =	vld.idx.msk [tilespmem:v28+s26+$0x0], $0xffff;
	v25 =	vadd.s32 v6, v25;
	[tilespmem:s1+$0xFFFFFF90] =	vst v19;
	v19 =	vadd.s32 s23, v9  }
0xa7: {  	v28 =	vld.idx.msk [tilespmem:v18+s26+$0x0], $0xffff;
	[tilespmem:s1+$0x10] =	vst v20;
	v18 =	vadd.s32 s11, v12;
	v20 =	vadd.s32 v6, v19  }
0xa8: {  	v19 =	vadd.s32 s30, v12;
	v22 =	vld.idx.msk [tilespmem:v22+s26+$0x0], $0xffff;
	v31 =	vadd.s32 v3, v18;
	[tilespmem:s0+$0xE0] =	vst v29  }
0xa9: {  	s14 =	simm.s32 $0x9;
	[tilespmem:s1+$0xFFFFFF10] =	vst v23;
	v23 =	vadd.s32 v3, v19;
	v18 =	vadd.s32 s31, v12;
	v17 =	vld.idx.msk [tilespmem:v17+s26+$0x0], $0xffff  }
0xaa: {  	[tilespmem:s0+$0x50] =	vst v26;
	v19 =	vadd.s32 s14, v15;
	v29 =	vld.idx.msk [tilespmem:v21+s26+$0x0], $0xffff;
	v32 =	vadd.s32 v3, v18  }
0xab: {  	v26 =	vadd.s32 v0, v19;
	v18 =	vadd.s32 s28, v12;
	[tilespmem:s0+$0xFFFFFF50] =	vst v24;
	v19 =	vld.idx.msk [tilespmem:v25+s26+$0x0], $0xffff  }
0xac: {  	[tilespmem:s1+$0xA0] =	vst v27;
	v24 =	vadd.s32 s15, v8;
	v33 =	vadd.s32 v3, v18;
	v18 =	vld.idx.msk [tilespmem:v20+s26+$0x0], $0xffff  }
0xad: {  	v25 =	vadd.s32 s16, v8;
	v27 =	vadd.s32 v7, v24;
	[tilespmem:s1+$0xFFFFFFA0] =	vst v28;
	v20 =	vld.idx.msk [tilespmem:v31+s26+$0x0], $0xffff  }
0xae: {  	v24 =	vadd.s32 v7, v25;
	v21 =	vld.idx.msk [tilespmem:v23+s26+$0x0], $0xffff;
	[tilespmem:s1+$0x20] =	vst v22;
	v23 =	vadd.s32 s11, v11  }
0xaf: {  	v28 =	vadd.s32 s30, v11;
	v22 =	vld.idx.msk [tilespmem:v32+s26+$0x0], $0xffff;
	[tilespmem:s0+$0xF0] =	vst v17;
	v25 =	vadd.s32 v4, v23  }
0xb0: {  	v17 =	vld.idx.msk [tilespmem:v26+s26+$0x0], $0xffff;
	[tilespmem:s1+$0xFFFFFF20] =	vst v29;
	v29 =	vadd.s32 s31, v11;
	v26 =	vadd.s32 v4, v28  }
0xb1: {  	[tilespmem:s0+$0xFFFFFFE0] =	vst v30;
	s15 =	simm.s32 $0xB;
	s16 =	simm.s32 $0xC;
	v23 =	vld.idx.msk [tilespmem:v33+s26+$0x0], $0xffff;
	v28 =	vadd.s32 v4, v29;
	v29 =	vadd.s32 s23, v8  }
.LBB2_5:
0xb2: {  	p1 =	slt.u32 s16, $0x1C;
	v30 =	vadd.s32 s15, v15;
	v29 =	vadd.s32 v7, v29;
	v27 =	vld.idx.msk [tilespmem:v27+s26+$0x0], $0xffff;
	[tilespmem:s0+$0x60] =	vst v19;
	s17 =	smov.u32 s29;
	s29 =	smov.u32 s16  }
0xb3: {  	s3 =	sadd.s32 $0x2, s17;
	v19 =	vadd.s32 v0, v30;
	v30 =	vadd.s32 s28, v11;
	[tilespmem:s1+$0xB0] =	vst v20;
	v20 =	vld.idx.msk [tilespmem:v24+s26+$0x0], $0xffff  }
0xb4: {  	v24 =	vadd.s32 s3, v15;
	v30 =	vadd.s32 v4, v30;
	[tilespmem:s1+$0xFFFFFFB0] =	vst v21;
	v21 =	vld.idx.msk [tilespmem:v25+s26+$0x0], $0xffff  }
0xb5: {  	v24 =	vadd.s32 v0, v24;
	v25 =	vld.idx.msk [tilespmem:v26+s26+$0x0], $0xffff;
	[tilespmem:s1+$0x30] =	vst v22;
	v22 =	vadd.s32 s11, v10  }
0xb6: {  	v26 =	vadd.s32 s30, v10;
	v28 =	vld.idx.msk [tilespmem:v28+s26+$0x0], $0xffff;
	v22 =	vadd.s32 v5, v22;
	[tilespmem:s0+$0xFFFFFF60] =	vst v18  }
0xb7: {  	v18 =	vadd.s32 v5, v26;
	[tilespmem:s1+$0xFFFFFF30] =	vst v23;
	v23 =	vadd.s32 s31, v10;
	v26 =	vld.idx.msk [tilespmem:v29+s26+$0x0], $0xffff  }
0xb8: {  	v29 =	vadd.s32 s16, v15;
	v19 =	vld.idx.msk [tilespmem:v19+s26+$0x0], $0xffff;
	v23 =	vadd.s32 v5, v23;
	[tilespmem:s0+$0xFFFFFFF0] =	vst v27  }
0xb9: {  	v27 =	vadd.s32 v0, v29;
	v29 =	vadd.s32 s15, v14;
	v30 =	vld.idx.msk [tilespmem:v30+s26+$0x0], $0xffff;
	[tilespmem:s0+$0x70] =	vst v20  }
0xba: {  	v20 =	vadd.s32 s14, v14;
	v29 =	vadd.s32 v1, v29;
	v24 =	vld.idx.msk [tilespmem:v24+s26+$0x0], $0xffff;
	[tilespmem:s1+$0xC0] =	vst v21  }
0xbb: {  	v20 =	vadd.s32 v1, v20;
	v21 =	vadd.s32 s3, v14;
	[tilespmem:s1+$0xFFFFFFC0] =	vst v25;
	v22 =	vld.idx.msk [tilespmem:v22+s26+$0x0], $0xffff  }
0xbc: {  	v21 =	vadd.s32 v1, v21;
	v25 =	vadd.s32 s11, v9;
	v18 =	vld.idx.msk [tilespmem:v18+s26+$0x0], $0xffff;
	[tilespmem:s1+$0x40] =	vst v28  }
0xbd: {  	v28 =	vadd.s32 s17, v14;
	v25 =	vadd.s32 v6, v25;
	v23 =	vld.idx.msk [tilespmem:v23+s26+$0x0], $0xffff;
	[tilespmem:s0+$0xFFFFFF70] =	vst v26;
	s0 =	smov.u32 s1;
	s1 =	sadd.s32 $0x200, s1  }
0xbe: {  	v26 =	vld.idx.msk [tilespmem:v27+s26+$0x0], $0xffff;
	v27 =	vadd.s32 v1, v28;
	[tilespmem:s1+$0x80] =	vst v19;
	v19 =	vadd.s32 s28, v10  }
0xbf: {  	v28 =	vadd.s32 s30, v9;
	[tilespmem:s1+$0xFFFFFF80] =	vst v17;
	v17 =	vld.idx.msk [tilespmem:v29+s26+$0x0], $0xffff;
	v19 =	vadd.s32 v5, v19  }
0xc0: {  	v28 =	vadd.s32 v6, v28;
	v20 =	vld.idx.msk [tilespmem:v20+s26+$0x0], $0xffff;
	[tilespmem:s1+$0x0] =	vst v24;
	v24 =	vadd.s32 s15, v13  }
0xc1: {  	v29 =	vadd.s32 s14, v13;
	v21 =	vld.idx.msk [tilespmem:v21+s26+$0x0], $0xffff;
	v24 =	vadd.s32 v2, v24;
	[tilespmem:s0+$0xD0] =	vst v22  }
0xc2: {  	v32 =	vadd.s32 s3, v13;
	v22 =	vadd.s32 v2, v29;
	[tilespmem:s1+$0xFFFFFF00] =	vst v16;
	v25 =	vld.idx.msk [tilespmem:v25+s26+$0x0], $0xffff  }
0xc3: {  	v31 =	vadd.s32 s11, v8;
	s11 =	smov.u32 s15;
	v29 =	vadd.s32 v2, v32;
	v27 =	vld.idx.msk [tilespmem:v27+s26+$0x0], $0xffff;
	[tilespmem:s0+$0xFFFFFF40] =	vst v30  }
0xc4: {  	v30 =	vadd.s32 s17, v13;
	v16 =	vmov v26;
	v19 =	vld.idx.msk [tilespmem:v19+s26+$0x0], $0xffff;
	[tilespmem:s0+$0xFFFFFFD0] =	vst v18;
	v18 =	vadd.s32 v7, v31  }
0xc5: {  	v26 =	vadd.s32 v2, v30;
	[tilespmem:s1+$0x90] =	vst v17;
	v30 =	vld.idx.msk [tilespmem:v28+s26+$0x0], $0xffff;
	v17 =	vadd.s32 s31, v9  }
0xc6: {  	[tilespmem:s1+$0xFFFFFF90] =	vst v20;
	v20 =	vld.idx.msk [tilespmem:v24+s26+$0x0], $0xffff;
	v24 =	vadd.s32 s28, v9;
	v17 =	vadd.s32 v6, v17  }
0xc7: {  	v22 =	vld.idx.msk [tilespmem:v22+s26+$0x0], $0xffff;
	[tilespmem:s1+$0x10] =	vst v21;
	v21 =	vadd.s32 s11, v12;
	v24 =	vadd.s32 v6, v24  }
0xc8: {  	v28 =	vadd.s32 s14, v12;
	v29 =	vld.idx.msk [tilespmem:v29+s26+$0x0], $0xffff;
	v21 =	vadd.s32 v3, v21;
	[tilespmem:s0+$0xE0] =	vst v25  }
0xc9: {  	s15 =	sadd.s32 $0x1, s16;
	v25 =	vadd.s32 v3, v28;
	[tilespmem:s1+$0xFFFFFF10] =	vst v27;
	v27 =	vadd.s32 s3, v12;
	v28 =	vld.idx.msk [tilespmem:v18+s26+$0x0], $0xffff  }
0xca: {  	v18 =	vadd.s32 s15, v15;
	v26 =	vld.idx.msk [tilespmem:v26+s26+$0x0], $0xffff;
	v31 =	vadd.s32 v3, v27;
	[tilespmem:s0+$0x50] =	vst v23  }
0xcb: {  	v23 =	vadd.s32 v0, v18;
	v18 =	vadd.s32 s17, v12;
	[tilespmem:s0+$0xFFFFFF50] =	vst v19;
	v19 =	vld.idx.msk [tilespmem:v17+s26+$0x0], $0xffff  }
0xcc: {  	v32 =	vadd.s32 v3, v18;
	v17 =	vadd.s32 s30, v8;
	s30 =	smov.u32 s14;
	s14 =	smov.u32 s15;
	[tilespmem:s1+$0xA0] =	vst v20;
	v18 =	vld.idx.msk [tilespmem:v24+s26+$0x0], $0xffff  }
.Ltmp1:
0xcd: {  	v27 =	vadd.s32 v7, v17;
	v17 =	vadd.s32 s31, v8;
	s31 =	smov.u32 s3;
	[tilespmem:s1+$0xFFFFFFA0] =	vst v22;
	v20 =	vld.idx.msk [tilespmem:v21+s26+$0x0], $0xffff;
	(pc) =	sbr.rel @p1 .LBB2_5-.Ltmp1, $4  }
0xce: {  	v24 =	vadd.s32 v7, v17;
	v21 =	vld.idx.msk [tilespmem:v25+s26+$0x0], $0xffff;
	[tilespmem:s1+$0x20] =	vst v29;
	v25 =	vadd.s32 s11, v11  }
0xcf: {  	v29 =	vadd.s32 s30, v11;
	v22 =	vld.idx.msk [tilespmem:v31+s26+$0x0], $0xffff;
	v25 =	vadd.s32 v4, v25;
	[tilespmem:s0+$0xF0] =	vst v28  }
0xd0: {  	v28 =	vadd.s32 s31, v11;
	v17 =	vld.idx.msk [tilespmem:v23+s26+$0x0], $0xffff;
	[tilespmem:s1+$0xFFFFFF20] =	vst v26;
	v26 =	vadd.s32 v4, v29  }
0xd1: {  	s16 =	sadd.s32 $0x4, s16;
	s15 =	sadd.s32 $0x3, s29;
	v28 =	vadd.s32 v4, v28;
	v29 =	vadd.s32 s28, v8;
	s28 =	smov.u32 s17;
	v23 =	vld.idx.msk [tilespmem:v32+s26+$0x0], $0xffff;
	[tilespmem:s0+$0xFFFFFFE0] =	vst v30  }
0xd2: {  	_ = 	snop  }
0xd3: {  	[tilespmem:s0+$0x60] =	vst v19  }
0xd4: {  	[tilespmem:s1+$0xB0] =	vst v20  }
0xd5: {  	v30 =	vadd.s32 s15, v15;
	s16 =	sadd.s32 $0x2, s29;
	[tilespmem:s0+$0xFFFFFF60] =	vst v18  }
0xd6: {  	v63 =	vld.idx.msk [tilespmem:v27+s26+$0x0], $0xffff;
	s17 =	sadd.s32 $0x200, s1;
	v30 =	vadd.s32 v0, v30;
	v32 =	vadd.s32 s16, v15;
	[tilespmem:s1+$0xFFFFFFB0] =	vst v21  }
0xd7: {  	v31 =	vld.idx.msk [tilespmem:v24+s26+$0x0], $0xffff;
	[tilespmem:s17+$0xFFFFFF00] =	vst v16;
	v15 =	vadd.s32 v0, v32  }
0xd8: {  	v35 =	vadd.s32 v7, v29;
	v41 =	vadd.s32 s14, v14;
	v33 =	vld.idx.msk [tilespmem:v25+s26+$0x0], $0xffff;
	[tilespmem:s1+$0x30] =	vst v22  }
0xd9: {  	v36 =	vadd.s32 s11, v10;
	v43 =	vadd.s32 s29, v14;
	v20 =	vadd.s32 v1, v41;
	v34 =	vld.idx.msk [tilespmem:v26+s26+$0x0], $0xffff;
	[tilespmem:s17+$0xFFFFFF80] =	vst v17  }
0xda: {  	v40 =	vadd.s32 s15, v14;
	v42 =	vadd.s32 s16, v14;
	v14 =	vadd.s32 v1, v43;
	v37 =	vld.idx.msk [tilespmem:v28+s26+$0x0], $0xffff;
	[tilespmem:s1+$0xFFFFFF30] =	vst v23  }
0xdb: {  	v38 =	vadd.s32 v5, v36;
	[tilespmem:s0+$0xFFFFFFF0] =	vst v63;
	v39 =	vld.idx.msk [tilespmem:v30+s26+$0x0], $0xffff  }
0xdc: {  	v19 =	vadd.s32 v1, v40;
	[tilespmem:s0+$0x70] =	vst v31;
	v15 =	vld.idx.msk [tilespmem:v15+s26+$0x0], $0xffff  }
0xdd: {  	v44 =	vadd.s32 s28, v11;
	v21 =	vadd.s32 v1, v42;
	v18 =	vld.idx.msk [tilespmem:v35+s26+$0x0], $0xffff;
	[tilespmem:s1+$0xC0] =	vst v33  }
0xde: {  	v45 =	vadd.s32 s30, v10;
	v22 =	vadd.s32 v4, v44;
	v20 =	vld.idx.msk [tilespmem:v20+s26+$0x0], $0xffff;
	[tilespmem:s1+$0xFFFFFFC0] =	vst v34  }
0xdf: {  	v48 =	vadd.s32 s15, v13;
	v51 =	vadd.s32 s29, v13;
	v46 =	vadd.s32 v5, v45;
	v14 =	vld.idx.msk [tilespmem:v14+s26+$0x0], $0xffff;
	[tilespmem:s1+$0x40] =	vst v37  }
0xe0: {  	v49 =	vadd.s32 s14, v13;
	v50 =	vadd.s32 s16, v13;
	v13 =	vadd.s32 v2, v51;
	v23 =	vld.idx.msk [tilespmem:v38+s26+$0x0], $0xffff;
	[tilespmem:s17+$0x80] =	vst v39  }
0xe1: {  	v47 =	vld.idx.msk [tilespmem:v19+s26+$0x0], $0xffff;
	[tilespmem:s17+$0x0] =	vst v15;
	v15 =	vadd.s32 v2, v49  }
0xe2: {  	[tilespmem:s0+$0xFFFFFF70] =	vst v18;
	v19 =	vadd.s32 v2, v48;
	v21 =	vld.idx.msk [tilespmem:v21+s26+$0x0], $0xffff  }
0xe3: {  	v54 =	vadd.s32 s31, v10;
	v16 =	vadd.s32 v2, v50;
	v52 =	vld.idx.msk [tilespmem:v22+s26+$0x0], $0xffff;
	[tilespmem:s17+$0xFFFFFF90] =	vst v20  }
0xe4: {  	v53 =	vadd.s32 s11, v9;
	v55 =	vadd.s32 v5, v54;
	v24 =	vld.idx.msk [tilespmem:v46+s26+$0x0], $0xffff;
	[tilespmem:s17+$0xFFFFFF10] =	vst v14  }
0xe5: {  	v56 =	vadd.s32 s15, v12;
	v61 =	vadd.s32 s29, v12;
	v22 =	vadd.s32 v6, v53;
	[tilespmem:s1+$0xD0] =	vst v23;
	v13 =	vld.idx.msk [tilespmem:v13+s26+$0x0], $0xffff  }
0xe6: {  	v57 =	vadd.s32 s14, v12;
	v59 =	vadd.s32 s16, v12;
	v12 =	vadd.s32 v3, v61;
	[tilespmem:s17+$0x90] =	vst v47;
	v15 =	vld.idx.msk [tilespmem:v15+s26+$0x0], $0xffff  }
0xe7: {  	v58 =	vadd.s32 v3, v57;
	v19 =	vld.idx.msk [tilespmem:v19+s26+$0x0], $0xffff;
	[tilespmem:s17+$0x10] =	vst v21  }
0xe8: {  	v20 =	vadd.s32 v3, v56;
	[tilespmem:s1+$0xFFFFFF40] =	vst v52;
	v16 =	vld.idx.msk [tilespmem:v16+s26+$0x0], $0xffff  }
0xe9: {  	v60 =	vadd.s32 v3, v59;
	v31 =	vadd.s32 s30, v9;
	v17 =	vld.idx.msk [tilespmem:v55+s26+$0x0], $0xffff;
	[tilespmem:s1+$0xFFFFFFD0] =	vst v24  }
0xea: {  	v33 =	vadd.s32 s31, v9;
	v32 =	vadd.s32 v6, v31;
	v22 =	vld.idx.msk [tilespmem:v22+s26+$0x0], $0xffff;
	[tilespmem:s17+$0xFFFFFF20] =	vst v13  }
0xeb: {  	v27 =	vadd.s32 s14, v11;
	v30 =	vadd.s32 s29, v11;
	v34 =	vadd.s32 v6, v33;
	v12 =	vld.idx.msk [tilespmem:v12+s26+$0x0], $0xffff;
	[tilespmem:s17+$0xFFFFFFA0] =	vst v15  }
0xec: {  	v29 =	vadd.s32 s16, v11;
	v26 =	vadd.s32 s15, v11;
	v11 =	vadd.s32 v4, v30;
	[tilespmem:s17+$0xA0] =	vst v19;
	v14 =	vld.idx.msk [tilespmem:v58+s26+$0x0], $0xffff  }
0xed: {  	v28 =	vadd.s32 v4, v27;
	v25 =	vld.idx.msk [tilespmem:v20+s26+$0x0], $0xffff;
	[tilespmem:s17+$0x20] =	vst v16  }
0xee: {  	[tilespmem:s1+$0x50] =	vst v17;
	v20 =	vadd.s32 v4, v26;
	v18 =	vld.idx.msk [tilespmem:v60+s26+$0x0], $0xffff  }
0xef: {  	v62 =	vadd.s32 s28, v10;
	v17 =	vld.idx.msk [tilespmem:v32+s26+$0x0], $0xffff;
	[tilespmem:s1+$0xE0] =	vst v22;
	v16 =	vadd.s32 v4, v29  }
0xf0: {  	v63 =	vadd.s32 s11, v8;
	v21 =	vadd.s32 v5, v62;
	v15 =	vld.idx.msk [tilespmem:v34+s26+$0x0], $0xffff;
	[tilespmem:s17+$0xFFFFFF30] =	vst v12  }
0xf1: {  	v36 =	vadd.s32 s15, v10;
	v40 =	vadd.s32 s29, v10;
	v24 =	vadd.s32 v7, v63;
	v11 =	vld.idx.msk [tilespmem:v11+s26+$0x0], $0xffff;
	[tilespmem:s17+$0xFFFFFFB0] =	vst v14  }
0xf2: {  	v37 =	vadd.s32 s14, v10;
	v39 =	vadd.s32 s16, v10;
	v10 =	vadd.s32 v5, v40;
	[tilespmem:s17+$0xB0] =	vst v25;
	v13 =	vld.idx.msk [tilespmem:v28+s26+$0x0], $0xffff  }
0xf3: {  	v38 =	vadd.s32 v5, v37;
	v35 =	vld.idx.msk [tilespmem:v20+s26+$0x0], $0xffff;
	[tilespmem:s17+$0x30] =	vst v18  }
0xf4: {  	[tilespmem:s1+$0xFFFFFFE0] =	vst v17;
	v20 =	vadd.s32 v5, v36;
	v16 =	vld.idx.msk [tilespmem:v16+s26+$0x0], $0xffff  }
0xf5: {  	v43 =	vadd.s32 s30, v8;
	v21 =	vld.idx.msk [tilespmem:v21+s26+$0x0], $0xffff;
	[tilespmem:s1+$0x60] =	vst v15;
	v18 =	vadd.s32 v5, v39  }
0xf6: {  	v41 =	vadd.s32 s28, v9;
	v44 =	vadd.s32 v7, v43;
	v19 =	vld.idx.msk [tilespmem:v24+s26+$0x0], $0xffff;
	[tilespmem:s17+$0xFFFFFF40] =	vst v11  }
0xf7: {  	v42 =	vadd.s32 v6, v41;
	v50 =	vadd.s32 s29, v9;
	v46 =	vadd.s32 s15, v9;
	v10 =	vld.idx.msk [tilespmem:v10+s26+$0x0], $0xffff;
	[tilespmem:s17+$0xFFFFFFC0] =	vst v13  }
0xf8: {  	v48 =	vadd.s32 s14, v9;
	v49 =	vadd.s32 s16, v9;
	v9 =	vadd.s32 v6, v50;
	[tilespmem:s17+$0xC0] =	vst v35;
	v12 =	vld.idx.msk [tilespmem:v38+s26+$0x0], $0xffff  }
0xf9: {  	v45 =	vld.idx.msk [tilespmem:v20+s26+$0x0], $0xffff;
	[tilespmem:s17+$0x40] =	vst v16;
	v20 =	vadd.s32 v6, v48  }
0xfa: {  	v47 =	vadd.s32 v6, v46;
	[tilespmem:s1+$0xFFFFFF50] =	vst v21;
	v18 =	vld.idx.msk [tilespmem:v18+s26+$0x0], $0xffff  }
0xfb: {  	v54 =	vadd.s32 s28, v8;
	v52 =	vadd.s32 s31, v8;
	[tilespmem:s1+$0xF0] =	vst v19;
	v14 =	vld.idx.msk [tilespmem:v44+s26+$0x0], $0xffff;
	v11 =	vadd.s32 v6, v49  }
0xfc: {  	v59 =	vadd.s32 s14, v8;
	v56 =	vadd.s32 s15, v8;
	v53 =	vadd.s32 v7, v52;
	v51 =	vld.idx.msk [tilespmem:v42+s26+$0x0], $0xffff;
	[tilespmem:s17+$0xFFFFFF50] =	vst v10  }
0xfd: {  	v55 =	vadd.s32 v7, v54;
	v62 =	vadd.s32 s16, v8;
	v8 =	vadd.s32 s29, v8;
	v9 =	vld.idx.msk [tilespmem:v9+s26+$0x0], $0xffff;
	[tilespmem:s17+$0xFFFFFFD0] =	vst v12  }
0xfe: {  	v8 =	vadd.s32 v7, v8;
	[tilespmem:s17+$0xD0] =	vst v45;
	v58 =	vld.idx.msk [tilespmem:v20+s26+$0x0], $0xffff  }
0xff: {  	v61 =	vadd.s32 v7, v59;
	v16 =	vld.idx.msk [tilespmem:v47+s26+$0x0], $0xffff;
	[tilespmem:s17+$0x50] =	vst v18  }
0x100: {  	v57 =	vadd.s32 v7, v56;
	[tilespmem:s1+$0xFFFFFFF0] =	vst v14;
	v60 =	vld.idx.msk [tilespmem:v11+s26+$0x0], $0xffff  }
0x101: {  	v63 =	vadd.s32 v7, v62;
	v15 =	vld.idx.msk [tilespmem:v53+s26+$0x0], $0xffff;
	[tilespmem:s1+$0xFFFFFF60] =	vst v51  }
0x102: {  	v13 =	vld.idx.msk [tilespmem:v55+s26+$0x0], $0xffff;
	[tilespmem:s17+$0xFFFFFF60] =	vst v9  }
0x103: {  	v8 =	vld.idx.msk [tilespmem:v8+s26+$0x0], $0xffff;
	[tilespmem:s17+$0xFFFFFFE0] =	vst v58  }
0x104: {  	[tilespmem:s17+$0xE0] =	vst v16;
	v11 =	vld.idx.msk [tilespmem:v61+s26+$0x0], $0xffff  }
0x105: {  	v12 =	vld.idx.msk [tilespmem:v57+s26+$0x0], $0xffff;
	[tilespmem:s17+$0x60] =	vst v60  }
0x106: {  	[tilespmem:s1+$0x70] =	vst v15;
	v10 =	vld.idx.msk [tilespmem:v63+s26+$0x0], $0xffff  }
0x107: {  	p1 =	sne.s32 s24, $0x18;
	[tilespmem:s1+$0xFFFFFF70] =	vst v13  }
.Ltmp2:
0x108: {  	s31 =	sshll.u32 s24, $0x12;
	[tilespmem:s17+$0xFFFFFF70] =	vst v8;
	(pc) =	sbr.rel @p1 .LBB2_8-.Ltmp2, $4  }
0x109: {  	s0 =	sor.u32 s4, s31;
	[tilespmem:s17+$0xFFFFFFF0] =	vst v11  }
0x10a: {  	s0 =	sshrl.u32 s0, $0x3;
	[tilespmem:s17+$0xF0] =	vst v12  }
0x10b: {  	s0 =	sadd.s32 s2, s0;
	[tilespmem:s17+$0x70] =	vst v10  }
0x10c: {  	[hbm4b:s0+s9] =	stream.strided.scatter [tilespmem:s19], [sflag:$0x2], $0x1000, s10, s9, $0x38;
	[tilespmem:$0x17400] =	vst v63  }
.Ltmp3:
0x10d: {  	(pc) =	sbr.rel .LBB2_9-.Ltmp3, $4  }
0x10e: {  	_ = 	snop  }
0x10f: {  	_ =	swait.ge [sflag:s18], $0x4000  }
0x110: {  	[sflag:s18] =	ssyncset.done $0x0  }
0x111: {  	[sflag:s18] =	ssyncadd.s32 $0xFFFFC000  }
.LBB2_8:
0x112: {  	s0 =	sadd.s32 $0x3, s25  }
0x113: {  	s1 =	sshll.u32 s0, $0xE;
	s0 =	sshll.u32 s0, $0x7  }
0x114: {  	s1 =	sand.u32 $0xC000, s1;
	s0 =	sand.u32 $0x3FFFFF80, s0  }
.Ltmp4:
0x115: {  	s1 =	sadd.s32 $0x5400, s1;
	s0 =	sadd.s32 $0x1C00, s0;
	(pc) =	sbr.rel @p0 .LBB2_10-.Ltmp4, $4  }
0x116: {  	[tilespmem:s1], [sflag:$0x1] =	stream.indirect.gather [hbm4b:s6+s13], $0x80, s0, s13, $0xb8;
	[tilespmem:$0x17400] =	vst v63  }
0x117: {  	_ =	swait.ge [sflag:s18], $0x4000  }
0x118: {  	[sflag:s18] =	ssyncset.done $0x0  }
0x119: {  	[sflag:s18] =	ssyncadd.s32 $0xFFFFC000  }
.LBB2_9:
0x11a: {  	_ =	swait.ge [sflag:s20], $0x1000  }
0x11b: {  	[sflag:s20] =	ssyncset.done $0x0  }
0x11c: {  	[sflag:s20] =	ssyncadd.s32 $0xFFFFF000  }
.LBB2_10:
0x11d: {  	s25 =	sor.u32 $0x1, s25  }
0x11e: {  	s0 =	sshll.u32 s25, $0x7  }
0x11f: {  	s0 =	sand.u32 $0x3FFFFF80, s0  }
0x120: {  	v15 =	vld [tilespmem:s0+$0x3800];
	_ =	sdelay $0x3  }
0x121: {  	s14 =	simm.s32 $0x3  }
0x122: {  	s15 =	simm.s32 $0x1;
	v14 =	vld [tilespmem:s0+$0x3810];
	v8 =	vadd.s32 s14, v15  }
0x123: {  	s17 =	simm.s32 $0x2;
	v13 =	vld [tilespmem:s0+$0x3820];
	v9 =	vadd.s32 s15, v15;
	v8 =	vadd.s32 v0, v8  }
0x124: {  	s16 =	simm.s32 $0x0;
	v12 =	vld [tilespmem:s0+$0x3830];
	v16 =	vadd.s32 v0, v9;
	v9 =	vadd.s32 s17, v15  }
0x125: {  	s1 =	sshll.u32 s25, $0xE;
	v11 =	vld [tilespmem:s0+$0x3840];
	v18 =	vadd.s32 s16, v15;
	v17 =	vadd.s32 v0, v9  }
0x126: {  	s1 =	sand.u32 $0xC000, s1;
	v10 =	vld [tilespmem:s0+$0x3850];
	v18 =	vadd.s32 v0, v18  }
0x127: {  	s26 =	sadd.s32 $0x5400, s1;
	v9 =	vld [tilespmem:s0+$0x3860]  }
0x128: {  	v19 =	vld.idx.msk [tilespmem:v8+s26+$0x0], $0xffff;
	v8 =	vadd.s32 s14, v14  }
0x129: {  	v20 =	vadd.s32 s15, v14;
	v16 =	vld.idx.msk [tilespmem:v16+s26+$0x0], $0xffff;
	v21 =	vadd.s32 v1, v8  }
0x12a: {  	v22 =	vadd.s32 s17, v14;
	v20 =	vadd.s32 v1, v20;
	v17 =	vld.idx.msk [tilespmem:v17+s26+$0x0], $0xffff  }
0x12b: {  	v22 =	vadd.s32 v1, v22;
	v18 =	vld.idx.msk [tilespmem:v18+s26+$0x0], $0xffff  }
0x12c: {  	v23 =	vadd.s32 s16, v14;
	v8 =	vld [tilespmem:s0+$0x3870];
	s0 =	simm.s32 $0x16500  }
0x12d: {  	v23 =	vadd.s32 v1, v23;
	[tilespmem:s0+$0x80] =	vst v19  }
0x12e: {  	[tilespmem:s0+$0xFFFFFF80] =	vst v16;
	v19 =	vadd.s32 s14, v13;
	v16 =	vld.idx.msk [tilespmem:v21+s26+$0x0], $0xffff  }
0x12f: {  	v20 =	vld.idx.msk [tilespmem:v20+s26+$0x0], $0xffff;
	[tilespmem:s0+$0x0] =	vst v17;
	v17 =	vadd.s32 s15, v13;
	v19 =	vadd.s32 v2, v19  }
0x130: {  	v21 =	vld.idx.msk [tilespmem:v22+s26+$0x0], $0xffff;
	v17 =	vadd.s32 v2, v17;
	v22 =	vadd.s32 s17, v13  }
0x131: {  	[tilespmem:s0+$0xFFFFFF00] =	vst v18;
	v18 =	vadd.s32 v2, v22  }
0x132: {  	v22 =	vld.idx.msk [tilespmem:v23+s26+$0x0], $0xffff;
	v23 =	vadd.s32 s16, v13  }
0x133: {  	v23 =	vadd.s32 v2, v23;
	[tilespmem:s0+$0x90] =	vst v16  }
0x134: {  	[tilespmem:s0+$0xFFFFFF90] =	vst v20;
	v16 =	vld.idx.msk [tilespmem:v19+s26+$0x0], $0xffff;
	v19 =	vadd.s32 s14, v12  }
0x135: {  	v20 =	vadd.s32 s15, v12;
	v17 =	vld.idx.msk [tilespmem:v17+s26+$0x0], $0xffff;
	[tilespmem:s0+$0x10] =	vst v21;
	v19 =	vadd.s32 v3, v19  }
0x136: {  	s28 =	simm.s32 $0x4;
	v20 =	vadd.s32 v3, v20;
	v21 =	vadd.s32 s17, v12;
	v18 =	vld.idx.msk [tilespmem:v18+s26+$0x0], $0xffff  }
0x137: {  	v24 =	vadd.s32 s28, v15;
	[tilespmem:s0+$0xFFFFFF10] =	vst v22;
	v21 =	vadd.s32 v3, v21  }
0x138: {  	s30 =	simm.s32 $0x5;
	v22 =	vadd.s32 v0, v24;
	v24 =	vadd.s32 s16, v12;
	v23 =	vld.idx.msk [tilespmem:v23+s26+$0x0], $0xffff  }
0x139: {  	v25 =	vadd.s32 s30, v15;
	v24 =	vadd.s32 v3, v24;
	[tilespmem:s0+$0xA0] =	vst v16  }
0x13a: {  	v16 =	vadd.s32 v0, v25;
	[tilespmem:s0+$0xFFFFFFA0] =	vst v17;
	v17 =	vld.idx.msk [tilespmem:v19+s26+$0x0], $0xffff;
	v19 =	vadd.s32 s14, v11  }
0x13b: {  	v20 =	vld.idx.msk [tilespmem:v20+s26+$0x0], $0xffff;
	[tilespmem:s0+$0x20] =	vst v18;
	v18 =	vadd.s32 s15, v11;
	v19 =	vadd.s32 v4, v19  }
0x13c: {  	s11 =	simm.s32 $0x7;
	v25 =	vadd.s32 s17, v11;
	v21 =	vld.idx.msk [tilespmem:v21+s26+$0x0], $0xffff;
	v18 =	vadd.s32 v4, v18  }
0x13d: {  	v22 =	vld.idx.msk [tilespmem:v22+s26+$0x0], $0xffff;
	[tilespmem:s0+$0xFFFFFF20] =	vst v23;
	v23 =	vadd.s32 v4, v25;
	v25 =	vadd.s32 s11, v15  }
0x13e: {  	s31 =	simm.s32 $0x6;
	v26 =	vadd.s32 s16, v11;
	v24 =	vld.idx.msk [tilespmem:v24+s26+$0x0], $0xffff;
	v25 =	vadd.s32 v0, v25  }
0x13f: {  	v27 =	vld.idx.msk [tilespmem:v16+s26+$0x0], $0xffff;
	v16 =	vadd.s32 s31, v15;
	[tilespmem:s0+$0xB0] =	vst v17;
	v17 =	vadd.s32 v4, v26  }
0x140: {  	[tilespmem:s0+$0xFFFFFFB0] =	vst v20;
	v16 =	vadd.s32 v0, v16;
	v20 =	vadd.s32 s14, v10;
	v19 =	vld.idx.msk [tilespmem:v19+s26+$0x0], $0xffff  }
0x141: {  	v18 =	vld.idx.msk [tilespmem:v18+s26+$0x0], $0xffff;
	[tilespmem:s0+$0x30] =	vst v21;
	v21 =	vadd.s32 s15, v10;
	v20 =	vadd.s32 v5, v20  }
0x142: {  	s29 =	simm.s32 $0x8;
	v26 =	vadd.s32 s17, v10;
	v23 =	vld.idx.msk [tilespmem:v23+s26+$0x0], $0xffff;
	v21 =	vadd.s32 v5, v21  }
0x143: {  	v26 =	vadd.s32 v5, v26;
	[tilespmem:s0+$0xFFFFFF30] =	vst v24;
	v24 =	vadd.s32 s29, v15;
	v25 =	vld.idx.msk [tilespmem:v25+s26+$0x0], $0xffff  }
0x144: {  	v28 =	vadd.s32 s11, v14;
	v24 =	vadd.s32 v0, v24;
	v17 =	vld.idx.msk [tilespmem:v17+s26+$0x0], $0xffff  }
0x145: {  	v29 =	vadd.s32 s30, v14;
	v28 =	vadd.s32 v1, v28;
	v30 =	vld.idx.msk [tilespmem:v16+s26+$0x0], $0xffff;
	[tilespmem:s0+$0xC0] =	vst v19  }
0x146: {  	v16 =	vadd.s32 s31, v14;
	v19 =	vadd.s32 v1, v29;
	[tilespmem:s0+$0xFFFFFFC0] =	vst v18;
	v18 =	vld.idx.msk [tilespmem:v20+s26+$0x0], $0xffff  }
0x147: {  	s1 =	simm.s32 $0x16700;
	v20 =	vadd.s32 v1, v16;
	v21 =	vld.idx.msk [tilespmem:v21+s26+$0x0], $0xffff;
	[tilespmem:s0+$0x40] =	vst v23;
	v16 =	vadd.s32 s14, v9  }
0x148: {  	[tilespmem:s1+$0xFFFFFF80] =	vst v27;
	v23 =	vadd.s32 s28, v14;
	v26 =	vld.idx.msk [tilespmem:v26+s26+$0x0], $0xffff;
	v29 =	vadd.s32 v6, v16  }
0x149: {  	v27 =	vadd.s32 s15, v9;
	[tilespmem:s1+$0x80] =	vst v25;
	v16 =	vld.idx.msk [tilespmem:v24+s26+$0x0], $0xffff;
	v23 =	vadd.s32 v1, v23  }
0x14a: {  	[tilespmem:s1+$0xFFFFFF00] =	vst v22;
	v27 =	vadd.s32 v6, v27;
	v24 =	vadd.s32 s16, v10;
	v25 =	vld.idx.msk [tilespmem:v28+s26+$0x0], $0xffff  }
0x14b: {  	v28 =	vadd.s32 s11, v13;
	v24 =	vadd.s32 v5, v24;
	[tilespmem:s1+$0x0] =	vst v30;
	v19 =	vld.idx.msk [tilespmem:v19+s26+$0x0], $0xffff  }
0x14c: {  	v28 =	vadd.s32 v2, v28;
	v30 =	vadd.s32 s30, v13;
	v20 =	vld.idx.msk [tilespmem:v20+s26+$0x0], $0xffff;
	[tilespmem:s0+$0xD0] =	vst v18  }
0x14d: {  	v22 =	vadd.s32 s31, v13;
	[tilespmem:s0+$0xFFFFFF40] =	vst v17;
	v18 =	vadd.s32 v2, v30;
	v29 =	vld.idx.msk [tilespmem:v29+s26+$0x0], $0xffff  }
0x14e: {  	v22 =	vadd.s32 v2, v22;
	v17 =	vadd.s32 s14, v8;
	v30 =	vadd.s32 s28, v13;
	[tilespmem:s0+$0xFFFFFFD0] =	vst v21;
	v23 =	vld.idx.msk [tilespmem:v23+s26+$0x0], $0xffff  }
0x14f: {  	v17 =	vadd.s32 v7, v17;
	v21 =	vadd.s32 v2, v30;
	v30 =	vld.idx.msk [tilespmem:v27+s26+$0x0], $0xffff  }
0x150: {  	[tilespmem:s1+$0x90] =	vst v25;
	v25 =	vadd.s32 s17, v9;
	v24 =	vld.idx.msk [tilespmem:v24+s26+$0x0], $0xffff  }
0x151: {  	v27 =	vld.idx.msk [tilespmem:v28+s26+$0x0], $0xffff;
	v25 =	vadd.s32 v6, v25;
	[tilespmem:s1+$0xFFFFFF90] =	vst v19;
	v19 =	vadd.s32 s16, v9  }
0x152: {  	v28 =	vld.idx.msk [tilespmem:v18+s26+$0x0], $0xffff;
	[tilespmem:s1+$0x10] =	vst v20;
	v18 =	vadd.s32 s11, v12;
	v20 =	vadd.s32 v6, v19  }
0x153: {  	v19 =	vadd.s32 s30, v12;
	v22 =	vld.idx.msk [tilespmem:v22+s26+$0x0], $0xffff;
	v31 =	vadd.s32 v3, v18;
	[tilespmem:s0+$0xE0] =	vst v29  }
0x154: {  	s14 =	simm.s32 $0x9;
	[tilespmem:s1+$0xFFFFFF10] =	vst v23;
	v23 =	vadd.s32 v3, v19;
	v18 =	vadd.s32 s31, v12;
	v17 =	vld.idx.msk [tilespmem:v17+s26+$0x0], $0xffff  }
0x155: {  	[tilespmem:s0+$0x50] =	vst v26;
	v19 =	vadd.s32 s14, v15;
	v29 =	vld.idx.msk [tilespmem:v21+s26+$0x0], $0xffff;
	v32 =	vadd.s32 v3, v18  }
0x156: {  	v26 =	vadd.s32 v0, v19;
	v18 =	vadd.s32 s28, v12;
	[tilespmem:s0+$0xFFFFFF50] =	vst v24;
	v19 =	vld.idx.msk [tilespmem:v25+s26+$0x0], $0xffff  }
0x157: {  	[tilespmem:s1+$0xA0] =	vst v27;
	v24 =	vadd.s32 s15, v8;
	v33 =	vadd.s32 v3, v18;
	v18 =	vld.idx.msk [tilespmem:v20+s26+$0x0], $0xffff  }
0x158: {  	v25 =	vadd.s32 s17, v8;
	v27 =	vadd.s32 v7, v24;
	[tilespmem:s1+$0xFFFFFFA0] =	vst v28;
	v20 =	vld.idx.msk [tilespmem:v31+s26+$0x0], $0xffff  }
0x159: {  	v24 =	vadd.s32 v7, v25;
	v21 =	vld.idx.msk [tilespmem:v23+s26+$0x0], $0xffff;
	[tilespmem:s1+$0x20] =	vst v22;
	v23 =	vadd.s32 s11, v11  }
0x15a: {  	v28 =	vadd.s32 s30, v11;
	v22 =	vld.idx.msk [tilespmem:v32+s26+$0x0], $0xffff;
	[tilespmem:s0+$0xF0] =	vst v17;
	v25 =	vadd.s32 v4, v23  }
0x15b: {  	v17 =	vld.idx.msk [tilespmem:v26+s26+$0x0], $0xffff;
	[tilespmem:s1+$0xFFFFFF20] =	vst v29;
	v29 =	vadd.s32 s31, v11;
	v26 =	vadd.s32 v4, v28  }
0x15c: {  	[tilespmem:s0+$0xFFFFFFE0] =	vst v30;
	s15 =	simm.s32 $0xB;
	s17 =	simm.s32 $0xC;
	v23 =	vld.idx.msk [tilespmem:v33+s26+$0x0], $0xffff;
	v28 =	vadd.s32 v4, v29;
	v29 =	vadd.s32 s16, v8  }
.LBB2_11:
0x15d: {  	p0 =	slt.u32 s17, $0x1C;
	v30 =	vadd.s32 s15, v15;
	v29 =	vadd.s32 v7, v29;
	v27 =	vld.idx.msk [tilespmem:v27+s26+$0x0], $0xffff;
	[tilespmem:s0+$0x60] =	vst v19;
	s16 =	smov.u32 s29;
	s29 =	smov.u32 s17  }
0x15e: {  	s3 =	sadd.s32 $0x2, s16;
	v19 =	vadd.s32 v0, v30;
	v30 =	vadd.s32 s28, v11;
	[tilespmem:s1+$0xB0] =	vst v20;
	v20 =	vld.idx.msk [tilespmem:v24+s26+$0x0], $0xffff  }
0x15f: {  	v24 =	vadd.s32 s3, v15;
	v30 =	vadd.s32 v4, v30;
	[tilespmem:s1+$0xFFFFFFB0] =	vst v21;
	v21 =	vld.idx.msk [tilespmem:v25+s26+$0x0], $0xffff  }
0x160: {  	v24 =	vadd.s32 v0, v24;
	v25 =	vld.idx.msk [tilespmem:v26+s26+$0x0], $0xffff;
	[tilespmem:s1+$0x30] =	vst v22;
	v22 =	vadd.s32 s11, v10  }
0x161: {  	v26 =	vadd.s32 s30, v10;
	v28 =	vld.idx.msk [tilespmem:v28+s26+$0x0], $0xffff;
	v22 =	vadd.s32 v5, v22;
	[tilespmem:s0+$0xFFFFFF60] =	vst v18  }
0x162: {  	v18 =	vadd.s32 v5, v26;
	[tilespmem:s1+$0xFFFFFF30] =	vst v23;
	v23 =	vadd.s32 s31, v10;
	v26 =	vld.idx.msk [tilespmem:v29+s26+$0x0], $0xffff  }
0x163: {  	v29 =	vadd.s32 s17, v15;
	v19 =	vld.idx.msk [tilespmem:v19+s26+$0x0], $0xffff;
	v23 =	vadd.s32 v5, v23;
	[tilespmem:s0+$0xFFFFFFF0] =	vst v27  }
0x164: {  	v27 =	vadd.s32 v0, v29;
	v29 =	vadd.s32 s15, v14;
	v30 =	vld.idx.msk [tilespmem:v30+s26+$0x0], $0xffff;
	[tilespmem:s0+$0x70] =	vst v20  }
0x165: {  	v20 =	vadd.s32 s14, v14;
	v29 =	vadd.s32 v1, v29;
	v24 =	vld.idx.msk [tilespmem:v24+s26+$0x0], $0xffff;
	[tilespmem:s1+$0xC0] =	vst v21  }
0x166: {  	v20 =	vadd.s32 v1, v20;
	v21 =	vadd.s32 s3, v14;
	[tilespmem:s1+$0xFFFFFFC0] =	vst v25;
	v22 =	vld.idx.msk [tilespmem:v22+s26+$0x0], $0xffff  }
0x167: {  	v21 =	vadd.s32 v1, v21;
	v25 =	vadd.s32 s11, v9;
	v18 =	vld.idx.msk [tilespmem:v18+s26+$0x0], $0xffff;
	[tilespmem:s1+$0x40] =	vst v28  }
0x168: {  	v28 =	vadd.s32 s16, v14;
	v25 =	vadd.s32 v6, v25;
	v23 =	vld.idx.msk [tilespmem:v23+s26+$0x0], $0xffff;
	[tilespmem:s0+$0xFFFFFF70] =	vst v26;
	s0 =	smov.u32 s1;
	s1 =	sadd.s32 $0x200, s1  }
0x169: {  	v26 =	vld.idx.msk [tilespmem:v27+s26+$0x0], $0xffff;
	v27 =	vadd.s32 v1, v28;
	[tilespmem:s1+$0x80] =	vst v19;
	v19 =	vadd.s32 s28, v10  }
0x16a: {  	v28 =	vadd.s32 s30, v9;
	[tilespmem:s1+$0xFFFFFF80] =	vst v17;
	v17 =	vld.idx.msk [tilespmem:v29+s26+$0x0], $0xffff;
	v19 =	vadd.s32 v5, v19  }
0x16b: {  	v28 =	vadd.s32 v6, v28;
	v20 =	vld.idx.msk [tilespmem:v20+s26+$0x0], $0xffff;
	[tilespmem:s1+$0x0] =	vst v24;
	v24 =	vadd.s32 s15, v13  }
0x16c: {  	v29 =	vadd.s32 s14, v13;
	v21 =	vld.idx.msk [tilespmem:v21+s26+$0x0], $0xffff;
	v24 =	vadd.s32 v2, v24;
	[tilespmem:s0+$0xD0] =	vst v22  }
0x16d: {  	v32 =	vadd.s32 s3, v13;
	v22 =	vadd.s32 v2, v29;
	[tilespmem:s1+$0xFFFFFF00] =	vst v16;
	v25 =	vld.idx.msk [tilespmem:v25+s26+$0x0], $0xffff  }
0x16e: {  	v31 =	vadd.s32 s11, v8;
	s11 =	smov.u32 s15;
	v29 =	vadd.s32 v2, v32;
	v27 =	vld.idx.msk [tilespmem:v27+s26+$0x0], $0xffff;
	[tilespmem:s0+$0xFFFFFF40] =	vst v30  }
0x16f: {  	v30 =	vadd.s32 s16, v13;
	v16 =	vmov v26;
	v19 =	vld.idx.msk [tilespmem:v19+s26+$0x0], $0xffff;
	[tilespmem:s0+$0xFFFFFFD0] =	vst v18;
	v18 =	vadd.s32 v7, v31  }
0x170: {  	v26 =	vadd.s32 v2, v30;
	[tilespmem:s1+$0x90] =	vst v17;
	v30 =	vld.idx.msk [tilespmem:v28+s26+$0x0], $0xffff;
	v17 =	vadd.s32 s31, v9  }
0x171: {  	[tilespmem:s1+$0xFFFFFF90] =	vst v20;
	v20 =	vld.idx.msk [tilespmem:v24+s26+$0x0], $0xffff;
	v24 =	vadd.s32 s28, v9;
	v17 =	vadd.s32 v6, v17  }
0x172: {  	v22 =	vld.idx.msk [tilespmem:v22+s26+$0x0], $0xffff;
	[tilespmem:s1+$0x10] =	vst v21;
	v21 =	vadd.s32 s11, v12;
	v24 =	vadd.s32 v6, v24  }
0x173: {  	v28 =	vadd.s32 s14, v12;
	v29 =	vld.idx.msk [tilespmem:v29+s26+$0x0], $0xffff;
	v21 =	vadd.s32 v3, v21;
	[tilespmem:s0+$0xE0] =	vst v25  }
0x174: {  	s15 =	sadd.s32 $0x1, s17;
	v25 =	vadd.s32 v3, v28;
	[tilespmem:s1+$0xFFFFFF10] =	vst v27;
	v27 =	vadd.s32 s3, v12;
	v28 =	vld.idx.msk [tilespmem:v18+s26+$0x0], $0xffff  }
0x175: {  	v18 =	vadd.s32 s15, v15;
	v26 =	vld.idx.msk [tilespmem:v26+s26+$0x0], $0xffff;
	v31 =	vadd.s32 v3, v27;
	[tilespmem:s0+$0x50] =	vst v23  }
0x176: {  	v23 =	vadd.s32 v0, v18;
	v18 =	vadd.s32 s16, v12;
	[tilespmem:s0+$0xFFFFFF50] =	vst v19;
	v19 =	vld.idx.msk [tilespmem:v17+s26+$0x0], $0xffff  }
0x177: {  	v32 =	vadd.s32 v3, v18;
	v17 =	vadd.s32 s30, v8;
	s30 =	smov.u32 s14;
	s14 =	smov.u32 s15;
	[tilespmem:s1+$0xA0] =	vst v20;
	v18 =	vld.idx.msk [tilespmem:v24+s26+$0x0], $0xffff  }
.Ltmp5:
0x178: {  	v27 =	vadd.s32 v7, v17;
	v17 =	vadd.s32 s31, v8;
	s31 =	smov.u32 s3;
	[tilespmem:s1+$0xFFFFFFA0] =	vst v22;
	v20 =	vld.idx.msk [tilespmem:v21+s26+$0x0], $0xffff;
	(pc) =	sbr.rel @p0 .LBB2_11-.Ltmp5, $4  }
0x179: {  	v24 =	vadd.s32 v7, v17;
	v21 =	vld.idx.msk [tilespmem:v25+s26+$0x0], $0xffff;
	[tilespmem:s1+$0x20] =	vst v29;
	v25 =	vadd.s32 s11, v11  }
0x17a: {  	v29 =	vadd.s32 s30, v11;
	v22 =	vld.idx.msk [tilespmem:v31+s26+$0x0], $0xffff;
	v25 =	vadd.s32 v4, v25;
	[tilespmem:s0+$0xF0] =	vst v28  }
0x17b: {  	v28 =	vadd.s32 s31, v11;
	v17 =	vld.idx.msk [tilespmem:v23+s26+$0x0], $0xffff;
	[tilespmem:s1+$0xFFFFFF20] =	vst v26;
	v26 =	vadd.s32 v4, v29  }
0x17c: {  	s17 =	sadd.s32 $0x4, s17;
	s15 =	sadd.s32 $0x3, s29;
	v28 =	vadd.s32 v4, v28;
	v29 =	vadd.s32 s28, v8;
	s28 =	smov.u32 s16;
	v23 =	vld.idx.msk [tilespmem:v32+s26+$0x0], $0xffff;
	[tilespmem:s0+$0xFFFFFFE0] =	vst v30  }
0x17d: {  	_ = 	snop  }
0x17e: {  	[tilespmem:s0+$0x60] =	vst v19  }
0x17f: {  	[tilespmem:s1+$0xB0] =	vst v20  }
0x180: {  	v30 =	vadd.s32 s15, v15;
	s16 =	sadd.s32 $0x2, s29;
	[tilespmem:s0+$0xFFFFFF60] =	vst v18  }
0x181: {  	v63 =	vld.idx.msk [tilespmem:v27+s26+$0x0], $0xffff;
	s17 =	sadd.s32 $0x200, s1;
	v30 =	vadd.s32 v0, v30;
	v32 =	vadd.s32 s16, v15;
	[tilespmem:s1+$0xFFFFFFB0] =	vst v21  }
0x182: {  	v31 =	vld.idx.msk [tilespmem:v24+s26+$0x0], $0xffff;
	[tilespmem:s17+$0xFFFFFF00] =	vst v16;
	v15 =	vadd.s32 v0, v32  }
0x183: {  	v35 =	vadd.s32 v7, v29;
	v41 =	vadd.s32 s14, v14;
	v33 =	vld.idx.msk [tilespmem:v25+s26+$0x0], $0xffff;
	[tilespmem:s1+$0x30] =	vst v22  }
0x184: {  	v36 =	vadd.s32 s11, v10;
	v43 =	vadd.s32 s29, v14;
	v20 =	vadd.s32 v1, v41;
	v34 =	vld.idx.msk [tilespmem:v26+s26+$0x0], $0xffff;
	[tilespmem:s17+$0xFFFFFF80] =	vst v17  }
0x185: {  	v40 =	vadd.s32 s15, v14;
	v42 =	vadd.s32 s16, v14;
	v14 =	vadd.s32 v1, v43;
	v37 =	vld.idx.msk [tilespmem:v28+s26+$0x0], $0xffff;
	[tilespmem:s1+$0xFFFFFF30] =	vst v23  }
0x186: {  	v38 =	vadd.s32 v5, v36;
	[tilespmem:s0+$0xFFFFFFF0] =	vst v63;
	v39 =	vld.idx.msk [tilespmem:v30+s26+$0x0], $0xffff  }
0x187: {  	v19 =	vadd.s32 v1, v40;
	[tilespmem:s0+$0x70] =	vst v31;
	v15 =	vld.idx.msk [tilespmem:v15+s26+$0x0], $0xffff  }
0x188: {  	v44 =	vadd.s32 s28, v11;
	v21 =	vadd.s32 v1, v42;
	v18 =	vld.idx.msk [tilespmem:v35+s26+$0x0], $0xffff;
	[tilespmem:s1+$0xC0] =	vst v33  }
0x189: {  	v45 =	vadd.s32 s30, v10;
	v22 =	vadd.s32 v4, v44;
	v20 =	vld.idx.msk [tilespmem:v20+s26+$0x0], $0xffff;
	[tilespmem:s1+$0xFFFFFFC0] =	vst v34  }
0x18a: {  	v48 =	vadd.s32 s15, v13;
	v51 =	vadd.s32 s29, v13;
	v46 =	vadd.s32 v5, v45;
	v14 =	vld.idx.msk [tilespmem:v14+s26+$0x0], $0xffff;
	[tilespmem:s1+$0x40] =	vst v37  }
0x18b: {  	v49 =	vadd.s32 s14, v13;
	v50 =	vadd.s32 s16, v13;
	v13 =	vadd.s32 v2, v51;
	v23 =	vld.idx.msk [tilespmem:v38+s26+$0x0], $0xffff;
	[tilespmem:s17+$0x80] =	vst v39  }
0x18c: {  	v47 =	vld.idx.msk [tilespmem:v19+s26+$0x0], $0xffff;
	[tilespmem:s17+$0x0] =	vst v15;
	v15 =	vadd.s32 v2, v49  }
0x18d: {  	[tilespmem:s0+$0xFFFFFF70] =	vst v18;
	v19 =	vadd.s32 v2, v48;
	v21 =	vld.idx.msk [tilespmem:v21+s26+$0x0], $0xffff  }
0x18e: {  	v54 =	vadd.s32 s31, v10;
	v16 =	vadd.s32 v2, v50;
	v52 =	vld.idx.msk [tilespmem:v22+s26+$0x0], $0xffff;
	[tilespmem:s17+$0xFFFFFF90] =	vst v20  }
0x18f: {  	v53 =	vadd.s32 s11, v9;
	v55 =	vadd.s32 v5, v54;
	v24 =	vld.idx.msk [tilespmem:v46+s26+$0x0], $0xffff;
	[tilespmem:s17+$0xFFFFFF10] =	vst v14  }
0x190: {  	v56 =	vadd.s32 s15, v12;
	v61 =	vadd.s32 s29, v12;
	v22 =	vadd.s32 v6, v53;
	[tilespmem:s1+$0xD0] =	vst v23;
	v13 =	vld.idx.msk [tilespmem:v13+s26+$0x0], $0xffff  }
0x191: {  	v57 =	vadd.s32 s14, v12;
	v59 =	vadd.s32 s16, v12;
	v12 =	vadd.s32 v3, v61;
	[tilespmem:s17+$0x90] =	vst v47;
	v15 =	vld.idx.msk [tilespmem:v15+s26+$0x0], $0xffff  }
0x192: {  	v58 =	vadd.s32 v3, v57;
	v19 =	vld.idx.msk [tilespmem:v19+s26+$0x0], $0xffff;
	[tilespmem:s17+$0x10] =	vst v21  }
0x193: {  	v20 =	vadd.s32 v3, v56;
	[tilespmem:s1+$0xFFFFFF40] =	vst v52;
	v16 =	vld.idx.msk [tilespmem:v16+s26+$0x0], $0xffff  }
0x194: {  	v60 =	vadd.s32 v3, v59;
	v31 =	vadd.s32 s30, v9;
	v17 =	vld.idx.msk [tilespmem:v55+s26+$0x0], $0xffff;
	[tilespmem:s1+$0xFFFFFFD0] =	vst v24  }
0x195: {  	v33 =	vadd.s32 s31, v9;
	v32 =	vadd.s32 v6, v31;
	v22 =	vld.idx.msk [tilespmem:v22+s26+$0x0], $0xffff;
	[tilespmem:s17+$0xFFFFFF20] =	vst v13  }
0x196: {  	v27 =	vadd.s32 s14, v11;
	v30 =	vadd.s32 s29, v11;
	v34 =	vadd.s32 v6, v33;
	v12 =	vld.idx.msk [tilespmem:v12+s26+$0x0], $0xffff;
	[tilespmem:s17+$0xFFFFFFA0] =	vst v15  }
0x197: {  	v29 =	vadd.s32 s16, v11;
	v26 =	vadd.s32 s15, v11;
	v11 =	vadd.s32 v4, v30;
	[tilespmem:s17+$0xA0] =	vst v19;
	v14 =	vld.idx.msk [tilespmem:v58+s26+$0x0], $0xffff  }
0x198: {  	v28 =	vadd.s32 v4, v27;
	v25 =	vld.idx.msk [tilespmem:v20+s26+$0x0], $0xffff;
	[tilespmem:s17+$0x20] =	vst v16  }
0x199: {  	[tilespmem:s1+$0x50] =	vst v17;
	v20 =	vadd.s32 v4, v26;
	v18 =	vld.idx.msk [tilespmem:v60+s26+$0x0], $0xffff  }
0x19a: {  	v62 =	vadd.s32 s28, v10;
	v17 =	vld.idx.msk [tilespmem:v32+s26+$0x0], $0xffff;
	[tilespmem:s1+$0xE0] =	vst v22;
	v16 =	vadd.s32 v4, v29  }
0x19b: {  	v63 =	vadd.s32 s11, v8;
	v21 =	vadd.s32 v5, v62;
	v15 =	vld.idx.msk [tilespmem:v34+s26+$0x0], $0xffff;
	[tilespmem:s17+$0xFFFFFF30] =	vst v12  }
0x19c: {  	v36 =	vadd.s32 s15, v10;
	v40 =	vadd.s32 s29, v10;
	v24 =	vadd.s32 v7, v63;
	v11 =	vld.idx.msk [tilespmem:v11+s26+$0x0], $0xffff;
	[tilespmem:s17+$0xFFFFFFB0] =	vst v14  }
0x19d: {  	v37 =	vadd.s32 s14, v10;
	v39 =	vadd.s32 s16, v10;
	v10 =	vadd.s32 v5, v40;
	[tilespmem:s17+$0xB0] =	vst v25;
	v13 =	vld.idx.msk [tilespmem:v28+s26+$0x0], $0xffff  }
0x19e: {  	v38 =	vadd.s32 v5, v37;
	v35 =	vld.idx.msk [tilespmem:v20+s26+$0x0], $0xffff;
	[tilespmem:s17+$0x30] =	vst v18  }
0x19f: {  	[tilespmem:s1+$0xFFFFFFE0] =	vst v17;
	v20 =	vadd.s32 v5, v36;
	v16 =	vld.idx.msk [tilespmem:v16+s26+$0x0], $0xffff  }
0x1a0: {  	v43 =	vadd.s32 s30, v8;
	v21 =	vld.idx.msk [tilespmem:v21+s26+$0x0], $0xffff;
	[tilespmem:s1+$0x60] =	vst v15;
	v18 =	vadd.s32 v5, v39  }
0x1a1: {  	v41 =	vadd.s32 s28, v9;
	v44 =	vadd.s32 v7, v43;
	v19 =	vld.idx.msk [tilespmem:v24+s26+$0x0], $0xffff;
	[tilespmem:s17+$0xFFFFFF40] =	vst v11  }
0x1a2: {  	v42 =	vadd.s32 v6, v41;
	v50 =	vadd.s32 s29, v9;
	v46 =	vadd.s32 s15, v9;
	v10 =	vld.idx.msk [tilespmem:v10+s26+$0x0], $0xffff;
	[tilespmem:s17+$0xFFFFFFC0] =	vst v13  }
0x1a3: {  	v48 =	vadd.s32 s14, v9;
	v49 =	vadd.s32 s16, v9;
	v9 =	vadd.s32 v6, v50;
	[tilespmem:s17+$0xC0] =	vst v35;
	v12 =	vld.idx.msk [tilespmem:v38+s26+$0x0], $0xffff  }
0x1a4: {  	v45 =	vld.idx.msk [tilespmem:v20+s26+$0x0], $0xffff;
	[tilespmem:s17+$0x40] =	vst v16;
	v20 =	vadd.s32 v6, v48  }
0x1a5: {  	v47 =	vadd.s32 v6, v46;
	[tilespmem:s1+$0xFFFFFF50] =	vst v21;
	v18 =	vld.idx.msk [tilespmem:v18+s26+$0x0], $0xffff  }
0x1a6: {  	v54 =	vadd.s32 s28, v8;
	v52 =	vadd.s32 s31, v8;
	[tilespmem:s1+$0xF0] =	vst v19;
	v14 =	vld.idx.msk [tilespmem:v44+s26+$0x0], $0xffff;
	v11 =	vadd.s32 v6, v49  }
0x1a7: {  	v59 =	vadd.s32 s14, v8;
	v56 =	vadd.s32 s15, v8;
	v53 =	vadd.s32 v7, v52;
	v51 =	vld.idx.msk [tilespmem:v42+s26+$0x0], $0xffff;
	[tilespmem:s17+$0xFFFFFF50] =	vst v10  }
0x1a8: {  	v55 =	vadd.s32 v7, v54;
	v62 =	vadd.s32 s16, v8;
	v8 =	vadd.s32 s29, v8;
	v9 =	vld.idx.msk [tilespmem:v9+s26+$0x0], $0xffff;
	[tilespmem:s17+$0xFFFFFFD0] =	vst v12  }
0x1a9: {  	v8 =	vadd.s32 v7, v8;
	[tilespmem:s17+$0xD0] =	vst v45;
	v58 =	vld.idx.msk [tilespmem:v20+s26+$0x0], $0xffff  }
0x1aa: {  	v61 =	vadd.s32 v7, v59;
	v16 =	vld.idx.msk [tilespmem:v47+s26+$0x0], $0xffff;
	[tilespmem:s17+$0x50] =	vst v18  }
0x1ab: {  	v57 =	vadd.s32 v7, v56;
	[tilespmem:s1+$0xFFFFFFF0] =	vst v14;
	v60 =	vld.idx.msk [tilespmem:v11+s26+$0x0], $0xffff  }
0x1ac: {  	v63 =	vadd.s32 v7, v62;
	v15 =	vld.idx.msk [tilespmem:v53+s26+$0x0], $0xffff;
	[tilespmem:s1+$0xFFFFFF60] =	vst v51  }
0x1ad: {  	v13 =	vld.idx.msk [tilespmem:v55+s26+$0x0], $0xffff;
	[tilespmem:s17+$0xFFFFFF60] =	vst v9  }
0x1ae: {  	v8 =	vld.idx.msk [tilespmem:v8+s26+$0x0], $0xffff;
	[tilespmem:s17+$0xFFFFFFE0] =	vst v58  }
0x1af: {  	[tilespmem:s17+$0xE0] =	vst v16;
	v11 =	vld.idx.msk [tilespmem:v61+s26+$0x0], $0xffff  }
0x1b0: {  	v12 =	vld.idx.msk [tilespmem:v57+s26+$0x0], $0xffff;
	[tilespmem:s17+$0x60] =	vst v60  }
0x1b1: {  	s24 =	sadd.s32 $0x1, s24;
	[tilespmem:s1+$0x70] =	vst v15;
	v10 =	vld.idx.msk [tilespmem:v63+s26+$0x0], $0xffff  }
0x1b2: {  	p0 =	sne.s32 s24, $0x19;
	[tilespmem:s1+$0xFFFFFF70] =	vst v13  }
.Ltmp6:
0x1b3: {  	s31 =	sshll.u32 s25, $0x11;
	[tilespmem:s17+$0xFFFFFF70] =	vst v8;
	(pc) =	sbr.rel @p0 .LBB2_4-.Ltmp6, $4  }
0x1b4: {  	s0 =	sor.u32 s4, s31;
	[tilespmem:s17+$0xFFFFFFF0] =	vst v11  }
0x1b5: {  	s0 =	sshrl.u32 s0, $0x3;
	[tilespmem:s17+$0xF0] =	vst v12  }
0x1b6: {  	s0 =	sadd.s32 s2, s0;
	[tilespmem:s17+$0x70] =	vst v10  }
0x1b7: {  	[hbm4b:s0+s9] =	stream.strided.scatter [tilespmem:s21], [sflag:$0x2], $0x1000, s10, s9, $0x38;
	[tilespmem:$0x17400] =	vst v63  }
0x1b8: {  	s22 =	sadd.s32 $0x1, s22  }
0x1b9: {  	_ =	swait.ge [sflag:s20], $0x1000;
	p0 =	sne.s32 s22, s8  }
.Ltmp7:
0x1ba: {  	[sflag:s20] =	ssyncset.done $0x0;
	(pc) =	sbr.rel @p0 .LBB2_1-.Ltmp7, $4  }
0x1bb: {  	[sflag:s20] =	ssyncadd.s32 $0xFFFFF000  }
0x1bc: {  	_ =	swait.ge [sflag:s20], $0x1000  }
0x1bd: {  	[sflag:s20] =	ssyncset.done $0x0  }
0x1be: {  	[sflag:s20] =	ssyncadd.s32 $0xFFFFF000  }
0x1bf: {  	_ =	sfence.sel $0x180000  }
0x1c0: {  	[bflag:$0x0] =	sbarrier.arrive $0xFFFF  }
0x1c1: {  	_ =	strace $0x90000047  }
0x1c2: {  	s0 =	stileid.u32;
	[bflag:$0x2] =	sbarrier.arrive $0xFFFF  }
0x1c3: {  	p0 =	sne.s32 s0, $0x0;
	s0 =	rddreg [dreg:$0x3]  }
0x1c4: {  	s0 =	sadd.s32 @!p0 $0x100000, s0  }
0x1c5: {  	[sflag:s0] =	ssyncadd.tile.s32 @!p0 $0x1;
	_ =	shalt  }
.Lfunc_end2:
_tile_overlayer_lowered:
.L_overlay_start_2:
0x1c6: {  	(tag) =	ssettag $0x2  }
0x1c7: {  	s0 =	rddreg [dreg:$0x0];
	s2 =	stileid.u32  }
0x1c8: {  	s1 =	rddreg [dreg:$0x1];
	p0 =	sne.s32 s2, $0x0  }
0x1c9: {  	s3 =	rddreg [dreg:$0x2];
	[bflag:$0x3] =	sbarrier.arrive $0xFFFF;
	s2 =	simm.s32 @!p0 $0x1C03  }
0x1ca: {  	[timem:s3], [sflag:s2] =	dma.local @!p0 [hbm:s0], s1  }
0x1cb: {  	s0 =	simm.s32 @!p0 $0x3  }
0x1cc: {  	_ =	swait.ge @!p0 [sflag:s0], s1  }
0x1cd: {  	s1 =	ssub.s32 @!p0 $0x0, s1;
	[sflag:s0] =	ssyncset.done @!p0 $0x0  }
0x1ce: {  	[sflag:s0] =	ssyncadd.s32 @!p0 s1  }
0x1cf: {  	[bflag:$0x3] =	sbarrier.arrive $0xFFFF  }
0x1d0: {  	_ =	shalt  }

</sc_bundles>
